<compile_context>
chip_gen: v7x
topology: tpu7x:2x2x1
jax: 0.10.2.dev20260603
libtpu: 0.0.44.dev20260713+nightly
codegen_flags: <defaults>
</compile_context>

<pallas_src>
import functools

import jax
import jax.numpy as jnp
from jax import lax
from jax.experimental import pallas as pl
from jax.experimental.pallas import tpu as pltpu
from jax.experimental.pallas import tpu_sc as plsc

_NROWS = 8
_HIDDEN = 1024
_B = 4 * 4096
_NC, _NS = 2, 16
_NW = _NC * _NS
_BPW = _B // _NW
_CH = 32
_NCHUNK = _BPW // _CH

_mesh = plsc.VectorSubcoreMesh(core_axis_name="c", subcore_axis_name="s")


@functools.partial(
    pl.kernel,
    mesh=_mesh,
    out_type=jax.ShapeDtypeStruct((_B, _HIDDEN), jnp.float32),
    scratch_types=[
        pltpu.VMEM((_BPW,), jnp.int32),
        pltpu.VMEM_SHARED((_NROWS, _HIDDEN), jnp.float32),
        pltpu.SemaphoreType.DMA,
    ],
)
def _sc_gather(idx_hbm, table_hbm, out_hbm, idx_v, table_sh, sem):
    wid = lax.axis_index("s") * _NC + lax.axis_index("c")
    base = wid * _BPW

    @pl.when(lax.axis_index("s") == 0)
    def _():
        pltpu.sync_copy(table_hbm, table_sh)

    pltpu.sync_copy(idx_hbm.at[pl.ds(base, _BPW)], idx_v)
    plsc.subcore_barrier()

    def chunk(j, carry):
        for h in range(_CH // 16):
            vec = idx_v[pl.ds(j * _CH + h * 16, 16)]
            for i in range(16):
                pltpu.async_copy(
                    table_sh.at[vec[i]],
                    out_hbm.at[base + j * _CH + h * 16 + i],
                    sem)
        return carry

    lax.fori_loop(0, _NCHUNK, chunk, 0)
    pltpu.make_async_copy(
        out_hbm.at[pl.ds(base, _BPW)], out_hbm.at[pl.ds(base, _BPW)],
        sem).wait()


def kernel(ids, indicator_embs):
    ids_flat = ids.reshape(_B).astype(jnp.int32)
    out = _sc_gather(ids_flat, indicator_embs)
    return out.reshape(ids.shape + (_HIDDEN,))

# --- scband reference (transcript-rebuilt; emitter-appended) ---
"""Pipeline reference for scband-align-indicator-38903813767366 (READ-ONLY COPY).

The authoritative reference and input builder live on the scoring server;
editing this copy changes nothing except your own understanding.
"""

import jax, jax.numpy as jnp
import numpy as np

N_INDICATORS = 8
HIDDEN = 1024
BATCH = 4
SEQ = 4096

def _xavier_uniform(key, shape):
    fan_in, fan_out = shape[0], shape[1]
    limit = float(np.sqrt(6.0 / (fan_in + fan_out)))
    return jax.random.uniform(key, shape, dtype=jnp.float32, minval=-limit, maxval=limit)

def setup_inputs(seed: int = 0) -> dict:
    key = jax.random.key(seed)
    k_ids, k_w = jax.random.split(key)
    ids = jax.random.randint(k_ids, (BATCH, SEQ), 0, N_INDICATORS, dtype=jnp.int64 if jax.config.jax_enable_x64 else jnp.int32)
    indicator_embs = _xavier_uniform(k_w, (N_INDICATORS, HIDDEN))
    return {"ids": ids, "indicator_embs": indicator_embs}

def reference(ids, indicator_embs):
    # Faithful translation of AlignIndicator.__call__: self.indicator_embs[ids]
    return jnp.take(indicator_embs, ids, axis=0)

if __name__ == "__main__":
    import jax
    _d = setup_inputs()
    print(jax.jit(kernel)(*tuple(_d.values())))

</pallas_src>

<mosaic_0001>
#map = affine_map<(d0, d1) -> (0)>
#map1 = affine_map<(d0, d1) -> (0, 0)>
module attributes {stable_mosaic.version = 14 : i64} {
  func.func @_sc_gather(%arg0: i32, %arg1: i32, %arg2: memref<16384xi32, #tpu.memory_space<hbm>>, %arg3: memref<8x1024xf32, #tpu.memory_space<hbm>>, %arg4: memref<16384x1024xf32, #tpu.memory_space<hbm>>, %arg5: memref<512xi32, #tpu.memory_space<vmem>>, %arg6: memref<8x1024xf32, #tpu.memory_space<vmem_shared>>, %arg7: memref<!tpu.dma_semaphore, #tpu.memory_space<semaphore_mem>>) attributes {dimension_semantics = [#tpu.dimension_semantics<core_parallel>, #tpu.dimension_semantics<subcore_parallel>], iteration_bounds = array<i64: 2, 16>, scalar_prefetch = 0 : i64, scratch_operands = 3 : i64, tpu.core_type = #tpu.core_type<sc_vector_subcore>, window_params = [{transform_indices = #map}, {transform_indices = #map1}, {transform_indices = #map1}]} {
    %mul3A = arith.constant 2 : i32
    %mul3A_0 = arith.muli %arg1, %mul3A : i32
    %add3A = arith.addi %mul3A_0, %arg0 : i32
    %mul3A_1 = arith.constant 512 : i32
    %mul3A_2 = arith.muli %add3A, %mul3A_1 : i32
    %eq3A = arith.constant 0 : i32
    %eq3A_3 = arith.cmpi eq, %arg1, %eq3A : i32
    %convert_element_type3A = arith.extui %eq3A_3 : i1 to i32
    %cond3A = arith.constant 0 : i32
    %cond3A_4 = arith.cmpi ne, %convert_element_type3A, %cond3A : i32
    scf.if %cond3A_4 {
      "tpu.region"() ({
        %run_scoped3A = tpu.sem_alloc : memref<!tpu.dma_semaphore, #tpu.memory_space<semaphore_mem>>
        tpu.enqueue_dma source(%arg3 : memref<8x1024xf32, #tpu.memory_space<hbm>>) target(%arg6 : memref<8x1024xf32, #tpu.memory_space<vmem_shared>>) target_semaphore(%run_scoped3A : memref<!tpu.dma_semaphore, #tpu.memory_space<semaphore_mem>>)
        tpu.wait_dma2 semaphore(%run_scoped3A : memref<!tpu.dma_semaphore, #tpu.memory_space<semaphore_mem>>) src(%arg3 : memref<8x1024xf32, #tpu.memory_space<hbm>>) dst(%arg6 : memref<8x1024xf32, #tpu.memory_space<vmem_shared>>)
        tpu.yield
      }) : () -> ()
    } else {
    }
    "tpu.region"() ({
      %run_scoped3A = tpu.sem_alloc : memref<!tpu.dma_semaphore, #tpu.memory_space<semaphore_mem>>
      %dma_start3A = tpu.memref_slice %arg2[%mul3A_2] : memref<16384xi32, #tpu.memory_space<hbm>> -> memref<512xi32, #tpu.memory_space<hbm>>
      %dma_start3A_13 = tpu.memref_slice %arg2[%mul3A_2] : memref<16384xi32, #tpu.memory_space<hbm>> -> memref<512xi32, #tpu.memory_space<hbm>>
      tpu.enqueue_dma source(%dma_start3A_13 : memref<512xi32, #tpu.memory_space<hbm>>) target(%arg5 : memref<512xi32, #tpu.memory_space<vmem>>) target_semaphore(%run_scoped3A : memref<!tpu.dma_semaphore, #tpu.memory_space<semaphore_mem>>)
      %dma_wait3A_14 = tpu.memref_slice %arg2[%mul3A_2] : memref<16384xi32, #tpu.memory_space<hbm>> -> memref<512xi32, #tpu.memory_space<hbm>>
      %dma_wait3A_15 = tpu.memref_slice %arg2[%mul3A_2] : memref<16384xi32, #tpu.memory_space<hbm>> -> memref<512xi32, #tpu.memory_space<hbm>>
      tpu.wait_dma2 semaphore(%run_scoped3A : memref<!tpu.dma_semaphore, #tpu.memory_space<semaphore_mem>>) src(%dma_wait3A_15 : memref<512xi32, #tpu.memory_space<hbm>>) dst(%arg5 : memref<512xi32, #tpu.memory_space<vmem>>)
      tpu.yield
    }) : () -> ()
    %barrier3A = arith.constant 0 : index
    tpu.barrier barrier_id(%barrier3A)
    %scan3A = arith.constant 0 : i32
    %scan3A_5 = arith.constant 0 : i32
    %scan3A_6 = arith.constant 16 : i32
    %scan3A_7 = arith.addi %scan3A_5, %scan3A_6 : i32
    %scan3A_8 = arith.constant 1 : i32
    scf.for %scan3A_13 = %scan3A_5 to %scan3A_7 step %scan3A_8  : i32 {
      %mul3A_14 = arith.constant 32 : i32
      %mul3A_15 = arith.muli %scan3A_13, %mul3A_14 : i32
      %add3A_16 = arith.constant 0 : i32
      %add3A_17 = arith.addi %mul3A_15, %add3A_16 : i32
      %get3A = arith.index_cast %add3A_17 : i32 to index
      %get3A_18 = tpu.vector_load %arg5[%get3A] {strides = array<i32>} : memref<512xi32, #tpu.memory_space<vmem>>, vector<16xi32>,
      %get3A_19 = vector.shape_cast %get3A_18 : vector<16xi32> to vector<16xi32>
      %slice3A = vector.extract_strided_slice %get3A_19 {offsets = [0], sizes = [1], strides = [1]} : vector<16xi32> to vector<1xi32>
      %squeeze3A = vector.extract %slice3A[0] : i32 from vector<1xi32>
      %mul3A_20 = arith.constant 32 : i32
      %mul3A_21 = arith.muli %scan3A_13, %mul3A_20 : i32
      %add3A_22 = arith.addi %mul3A_2, %mul3A_21 : i32
      %add3A_23 = arith.constant 0 : i32
      %add3A_24 = arith.addi %add3A_22, %add3A_23 : i32
      %add3A_25 = arith.constant 0 : i32
      %add3A_26 = arith.addi %add3A_24, %add3A_25 : i32
      %dma_start3A = arith.constant 0 : i32
      %dma_start3A_27 = tpu.memref_slice %arg4[%add3A_26, %dma_start3A] : memref<16384x1024xf32, #tpu.memory_space<hbm>> -> memref<1x1024xf32, #tpu.memory_space<hbm>>
      %dma_start3A_28 = tpu.memref_squeeze %dma_start3A_27 : memref<1x1024xf32, #tpu.memory_space<hbm>> -> memref<1024xf32, #tpu.memory_space<hbm>>
      %dma_start3A_29 = arith.constant 0 : i32
      %dma_start3A_30 = tpu.memref_slice %arg6[%squeeze3A, %dma_start3A_29] : memref<8x1024xf32, #tpu.memory_space<vmem_shared>> -> memref<1x1024xf32, #tpu.memory_space<vmem_shared>>
      %dma_start3A_31 = tpu.memref_squeeze %dma_start3A_30 : memref<1x1024xf32, #tpu.memory_space<vmem_shared>> -> memref<1024xf32, #tpu.memory_space<vmem_shared>>
      tpu.enqueue_dma source(%dma_start3A_31 : memref<1024xf32, #tpu.memory_space<vmem_shared>>) target(%dma_start3A_28 : memref<1024xf32, #tpu.memory_space<hbm>>) target_semaphore(%arg7 : memref<!tpu.dma_semaphore, #tpu.memory_space<semaphore_mem>>)
      %slice3A_32 = vector.extract_strided_slice %get3A_19 {offsets = [1], sizes = [1], strides = [1]} : vector<16xi32> to vector<1xi32>
      %squeeze3A_33 = vector.extract %slice3A_32[0] : i32 from vector<1xi32>
      %mul3A_34 = arith.constant 32 : i32
      %mul3A_35 = arith.muli %scan3A_13, %mul3A_34 : i32
      %add3A_36 = arith.addi %mul3A_2, %mul3A_35 : i32
      %add3A_37 = arith.constant 0 : i32
      %add3A_38 = arith.addi %add3A_36, %add3A_37 : i32
      %add3A_39 = arith.constant 1 : i32
      %add3A_40 = arith.addi %add3A_38, %add3A_39 : i32
      %dma_start3A_41 = arith.constant 0 : i32
      %dma_start3A_42 = tpu.memref_slice %arg4[%add3A_40, %dma_start3A_41] : memref<16384x1024xf32, #tpu.memory_space<hbm>> -> memref<1x1024xf32, #tpu.memory_space<hbm>>
      %dma_start3A_43 = tpu.memref_squeeze %dma_start3A_42 : memref<1x1024xf32, #tpu.memory_space<hbm>> -> memref<1024xf32, #tpu.memory_space<hbm>>
      %dma_start3A_44 = arith.constant 0 : i32
      %dma_start3A_45 = tpu.memref_slice %arg6[%squeeze3A_33, %dma_start3A_44] : memref<8x1024xf32, #tpu.memory_space<vmem_shared>> -> memref<1x1024xf32, #tpu.memory_space<vmem_shared>>
      %dma_start3A_46 = tpu.memref_squeeze %dma_start3A_45 : memref<1x1024xf32, #tpu.memory_space<vmem_shared>> -> memref<1024xf32, #tpu.memory_space<vmem_shared>>
      tpu.enqueue_dma source(%dma_start3A_46 : memref<1024xf32, #tpu.memory_space<vmem_shared>>) target(%dma_start3A_43 : memref<1024xf32, #tpu.memory_space<hbm>>) target_semaphore(%arg7 : memref<!tpu.dma_semaphore, #tpu.memory_space<semaphore_mem>>)
      %slice3A_47 = vector.extract_strided_slice %get3A_19 {offsets = [2], sizes = [1], strides = [1]} : vector<16xi32> to vector<1xi32>
      %squeeze3A_48 = vector.extract %slice3A_47[0] : i32 from vector<1xi32>
      %mul3A_49 = arith.constant 32 : i32
      %mul3A_50 = arith.muli %scan3A_13, %mul3A_49 : i32
      %add3A_51 = arith.addi %mul3A_2, %mul3A_50 : i32
      %add3A_52 = arith.constant 0 : i32
      %add3A_53 = arith.addi %add3A_51, %add3A_52 : i32
      %add3A_54 = arith.constant 2 : i32
      %add3A_55 = arith.addi %add3A_53, %add3A_54 : i32
      %dma_start3A_56 = arith.constant 0 : i32
      %dma_start3A_57 = tpu.memref_slice %arg4[%add3A_55, %dma_start3A_56] : memref<16384x1024xf32, #tpu.memory_space<hbm>> -> memref<1x1024xf32, #tpu.memory_space<hbm>>
      %dma_start3A_58 = tpu.memref_squeeze %dma_start3A_57 : memref<1x1024xf32, #tpu.memory_space<hbm>> -> memref<1024xf32, #tpu.memory_space<hbm>>
      %dma_start3A_59 = arith.constant 0 : i32
      %dma_start3A_60 = tpu.memref_slice %arg6[%squeeze3A_48, %dma_start3A_59] : memref<8x1024xf32, #tpu.memory_space<vmem_shared>> -> memref<1x1024xf32, #tpu.memory_space<vmem_shared>>
      %dma_start3A_61 = tpu.memref_squeeze %dma_start3A_60 : memref<1x1024xf32, #tpu.memory_space<vmem_shared>> -> memref<1024xf32, #tpu.memory_space<vmem_shared>>
      tpu.enqueue_dma source(%dma_start3A_61 : memref<1024xf32, #tpu.memory_space<vmem_shared>>) target(%dma_start3A_58 : memref<1024xf32, #tpu.memory_space<hbm>>) target_semaphore(%arg7 : memref<!tpu.dma_semaphore, #tpu.memory_space<semaphore_mem>>)
      %slice3A_62 = vector.extract_strided_slice %get3A_19 {offsets = [3], sizes = [1], strides = [1]} : vector<16xi32> to vector<1xi32>
      %squeeze3A_63 = vector.extract %slice3A_62[0] : i32 from vector<1xi32>
      %mul3A_64 = arith.constant 32 : i32
      %mul3A_65 = arith.muli %scan3A_13, %mul3A_64 : i32
      %add3A_66 = arith.addi %mul3A_2, %mul3A_65 : i32
      %add3A_67 = arith.constant 0 : i32
      %add3A_68 = arith.addi %add3A_66, %add3A_67 : i32
      %add3A_69 = arith.constant 3 : i32
      %add3A_70 = arith.addi %add3A_68, %add3A_69 : i32
      %dma_start3A_71 = arith.constant 0 : i32
      %dma_start3A_72 = tpu.memref_slice %arg4[%add3A_70, %dma_start3A_71] : memref<16384x1024xf32, #tpu.memory_space<hbm>> -> memref<1x1024xf32, #tpu.memory_space<hbm>>
      %dma_start3A_73 = tpu.memref_squeeze %dma_start3A_72 : memref<1x1024xf32, #tpu.memory_space<hbm>> -> memref<1024xf32, #tpu.memory_space<hbm>>
      %dma_start3A_74 = arith.constant 0 : i32
      %dma_start3A_75 = tpu.memref_slice %arg6[%squeeze3A_63, %dma_start3A_74] : memref<8x1024xf32, #tpu.memory_space<vmem_shared>> -> memref<1x1024xf32, #tpu.memory_space<vmem_shared>>
      %dma_start3A_76 = tpu.memref_squeeze %dma_start3A_75 : memref<1x1024xf32, #tpu.memory_space<vmem_shared>> -> memref<1024xf32, #tpu.memory_space<vmem_shared>>
      tpu.enqueue_dma source(%dma_start3A_76 : memref<1024xf32, #tpu.memory_space<vmem_shared>>) target(%dma_start3A_73 : memref<1024xf32, #tpu.memory_space<hbm>>) target_semaphore(%arg7 : memref<!tpu.dma_semaphore, #tpu.memory_space<semaphore_mem>>)
      %slice3A_77 = vector.extract_strided_slice %get3A_19 {offsets = [4], sizes = [1], strides = [1]} : vector<16xi32> to vector<1xi32>
      %squeeze3A_78 = vector.extract %slice3A_77[0] : i32 from vector<1xi32>
      %mul3A_79 = arith.constant 32 : i32
      %mul3A_80 = arith.muli %scan3A_13, %mul3A_79 : i32
      %add3A_81 = arith.addi %mul3A_2, %mul3A_80 : i32
      %add3A_82 = arith.constant 0 : i32
      %add3A_83 = arith.addi %add3A_81, %add3A_82 : i32
      %add3A_84 = arith.constant 4 : i32
      %add3A_85 = arith.addi %add3A_83, %add3A_84 : i32
      %dma_start3A_86 = arith.constant 0 : i32
      %dma_start3A_87 = tpu.memref_slice %arg4[%add3A_85, %dma_start3A_86] : memref<16384x1024xf32, #tpu.memory_space<hbm>> -> memref<1x1024xf32, #tpu.memory_space<hbm>>
      %dma_start3A_88 = tpu.memref_squeeze %dma_start3A_87 : memref<1x1024xf32, #tpu.memory_space<hbm>> -> memref<1024xf32, #tpu.memory_space<hbm>>
      %dma_start3A_89 = arith.constant 0 : i32
      %dma_start3A_90 = tpu.memref_slice %arg6[%squeeze3A_78, %dma_start3A_89] : memref<8x1024xf32, #tpu.memory_space<vmem_shared>> -> memref<1x1024xf32, #tpu.memory_space<vmem_shared>>
      %dma_start3A_91 = tpu.memref_squeeze %dma_start3A_90 : memref<1x1024xf32, #tpu.memory_space<vmem_shared>> -> memref<1024xf32, #tpu.memory_space<vmem_shared>>
      tpu.enqueue_dma source(%dma_start3A_91 : memref<1024xf32, #tpu.memory_space<vmem_shared>>) target(%dma_start3A_88 : memref<1024xf32, #tpu.memory_space<hbm>>) target_semaphore(%arg7 : memref<!tpu.dma_semaphore, #tpu.memory_space<semaphore_mem>>)
      %slice3A_92 = vector.extract_strided_slice %get3A_19 {offsets = [5], sizes = [1], strides = [1]} : vector<16xi32> to vector<1xi32>
      %squeeze3A_93 = vector.extract %slice3A_92[0] : i32 from vector<1xi32>
      %mul3A_94 = arith.constant 32 : i32
      %mul3A_95 = arith.muli %scan3A_13, %mul3A_94 : i32
      %add3A_96 = arith.addi %mul3A_2, %mul3A_95 : i32
      %add3A_97 = arith.constant 0 : i32
      %add3A_98 = arith.addi %add3A_96, %add3A_97 : i32
      %add3A_99 = arith.constant 5 : i32
      %add3A_100 = arith.addi %add3A_98, %add3A_99 : i32
      %dma_start3A_101 = arith.constant 0 : i32
      %dma_start3A_102 = tpu.memref_slice %arg4[%add3A_100, %dma_start3A_101] : memref<16384x1024xf32, #tpu.memory_space<hbm>> -> memref<1x1024xf32, #tpu.memory_space<hbm>>
      %dma_start3A_103 = tpu.memref_squeeze %dma_start3A_102 : memref<1x1024xf32, #tpu.memory_space<hbm>> -> memref<1024xf32, #tpu.memory_space<hbm>>
      %dma_start3A_104 = arith.constant 0 : i32
      %dma_start3A_105 = tpu.memref_slice %arg6[%squeeze3A_93, %dma_start3A_104] : memref<8x1024xf32, #tpu.memory_space<vmem_shared>> -> memref<1x1024xf32, #tpu.memory_space<vmem_shared>>
      %dma_start3A_106 = tpu.memref_squeeze %dma_start3A_105 : memref<1x1024xf32, #tpu.memory_space<vmem_shared>> -> memref<1024xf32, #tpu.memory_space<vmem_shared>>
      tpu.enqueue_dma source(%dma_start3A_106 : memref<1024xf32, #tpu.memory_space<vmem_shared>>) target(%dma_start3A_103 : memref<1024xf32, #tpu.memory_space<hbm>>) target_semaphore(%arg7 : memref<!tpu.dma_semaphore, #tpu.memory_space<semaphore_mem>>)
      %slice3A_107 = vector.extract_strided_slice %get3A_19 {offsets = [6], sizes = [1], strides = [1]} : vector<16xi32> to vector<1xi32>
      %squeeze3A_108 = vector.extract %slice3A_107[0] : i32 from vector<1xi32>
      %mul3A_109 = arith.constant 32 : i32
      %mul3A_110 = arith.muli %scan3A_13, %mul3A_109 : i32
      %add3A_111 = arith.addi %mul3A_2, %mul3A_110 : i32
      %add3A_112 = arith.constant 0 : i32
      %add3A_113 = arith.addi %add3A_111, %add3A_112 : i32
      %add3A_114 = arith.constant 6 : i32
      %add3A_115 = arith.addi %add3A_113, %add3A_114 : i32
      %dma_start3A_116 = arith.constant 0 : i32
      %dma_start3A_117 = tpu.memref_slice %arg4[%add3A_115, %dma_start3A_116] : memref<16384x1024xf32, #tpu.memory_space<hbm>> -> memref<1x1024xf32, #tpu.memory_space<hbm>>
      %dma_start3A_118 = tpu.memref_squeeze %dma_start3A_117 : memref<1x1024xf32, #tpu.memory_space<hbm>> -> memref<1024xf32, #tpu.memory_space<hbm>>
      %dma_start3A_119 = arith.constant 0 : i32
      %dma_start3A_120 = tpu.memref_slice %arg6[%squeeze3A_108, %dma_start3A_119] : memref<8x1024xf32, #tpu.memory_space<vmem_shared>> -> memref<1x1024xf32, #tpu.memory_space<vmem_shared>>
      %dma_start3A_121 = tpu.memref_squeeze %dma_start3A_120 : memref<1x1024xf32, #tpu.memory_space<vmem_shared>> -> memref<1024xf32, #tpu.memory_space<vmem_shared>>
      tpu.enqueue_dma source(%dma_start3A_121 : memref<1024xf32, #tpu.memory_space<vmem_shared>>) target(%dma_start3A_118 : memref<1024xf32, #tpu.memory_space<hbm>>) target_semaphore(%arg7 : memref<!tpu.dma_semaphore, #tpu.memory_space<semaphore_mem>>)
      %slice3A_122 = vector.extract_strided_slice %get3A_19 {offsets = [7], sizes = [1], strides = [1]} : vector<16xi32> to vector<1xi32>
      %squeeze3A_123 = vector.extract %slice3A_122[0] : i32 from vector<1xi32>
      %mul3A_124 = arith.constant 32 : i32
      %mul3A_125 = arith.muli %scan3A_13, %mul3A_124 : i32
      %add3A_126 = arith.addi %mul3A_2, %mul3A_125 : i32
      %add3A_127 = arith.constant 0 : i32
      %add3A_128 = arith.addi %add3A_126, %add3A_127 : i32
      %add3A_129 = arith.constant 7 : i32
      %add3A_130 = arith.addi %add3A_128, %add3A_129 : i32
      %dma_start3A_131 = arith.constant 0 : i32
      %dma_start3A_132 = tpu.memref_slice %arg4[%add3A_130, %dma_start3A_131] : memref<16384x1024xf32, #tpu.memory_space<hbm>> -> memref<1x1024xf32, #tpu.memory_space<hbm>>
      %dma_start3A_133 = tpu.memref_squeeze %dma_start3A_132 : memref<1x1024xf32, #tpu.memory_space<hbm>> -> memref<1024xf32, #tpu.memory_space<hbm>>
      %dma_start3A_134 = arith.constant 0 : i32
      %dma_start3A_135 = tpu.memref_slice %arg6[%squeeze3A_123, %dma_start3A_134] : memref<8x1024xf32, #tpu.memory_space<vmem_shared>> -> memref<1x1024xf32, #tpu.memory_space<vmem_shared>>
      %dma_start3A_136 = tpu.memref_squeeze %dma_start3A_135 : memref<1x1024xf32, #tpu.memory_space<vmem_shared>> -> memref<1024xf32, #tpu.memory_space<vmem_shared>>
      tpu.enqueue_dma source(%dma_start3A_136 : memref<1024xf32, #tpu.memory_space<vmem_shared>>) target(%dma_start3A_133 : memref<1024xf32, #tpu.memory_space<hbm>>) target_semaphore(%arg7 : memref<!tpu.dma_semaphore, #tpu.memory_space<semaphore_mem>>)
      %slice3A_137 = vector.extract_strided_slice %get3A_19 {offsets = [8], sizes = [1], strides = [1]} : vector<16xi32> to vector<1xi32>
      %squeeze3A_138 = vector.extract %slice3A_137[0] : i32 from vector<1xi32>
      %mul3A_139 = arith.constant 32 : i32
      %mul3A_140 = arith.muli %scan3A_13, %mul3A_139 : i32
      %add3A_141 = arith.addi %mul3A_2, %mul3A_140 : i32
      %add3A_142 = arith.constant 0 : i32
      %add3A_143 = arith.addi %add3A_141, %add3A_142 : i32
      %add3A_144 = arith.constant 8 : i32
      %add3A_145 = arith.addi %add3A_143, %add3A_144 : i32
      %dma_start3A_146 = arith.constant 0 : i32
      %dma_start3A_147 = tpu.memref_slice %arg4[%add3A_145, %dma_start3A_146] : memref<16384x1024xf32, #tpu.memory_space<hbm>> -> memref<1x1024xf32, #tpu.memory_space<hbm>>
      %dma_start3A_148 = tpu.memref_squeeze %dma_start3A_147 : memref<1x1024xf32, #tpu.memory_space<hbm>> -> memref<1024xf32, #tpu.memory_space<hbm>>
      %dma_start3A_149 = arith.constant 0 : i32
      %dma_start3A_150 = tpu.memref_slice %arg6[%squeeze3A_138, %dma_start3A_149] : memref<8x1024xf32, #tpu.memory_space<vmem_shared>> -> memref<1x1024xf32, #tpu.memory_space<vmem_shared>>
      %dma_start3A_151 = tpu.memref_squeeze %dma_start3A_150 : memref<1x1024xf32, #tpu.memory_space<vmem_shared>> -> memref<1024xf32, #tpu.memory_space<vmem_shared>>
      tpu.enqueue_dma source(%dma_start3A_151 : memref<1024xf32, #tpu.memory_space<vmem_shared>>) target(%dma_start3A_148 : memref<1024xf32, #tpu.memory_space<hbm>>) target_semaphore(%arg7 : memref<!tpu.dma_semaphore, #tpu.memory_space<semaphore_mem>>)
      %slice3A_152 = vector.extract_strided_slice %get3A_19 {offsets = [9], sizes = [1], strides = [1]} : vector<16xi32> to vector<1xi32>
      %squeeze3A_153 = vector.extract %slice3A_152[0] : i32 from vector<1xi32>
      %mul3A_154 = arith.constant 32 : i32
      %mul3A_155 = arith.muli %scan3A_13, %mul3A_154 : i32
      %add3A_156 = arith.addi %mul3A_2, %mul3A_155 : i32
      %add3A_157 = arith.constant 0 : i32
      %add3A_158 = arith.addi %add3A_156, %add3A_157 : i32
      %add3A_159 = arith.constant 9 : i32
      %add3A_160 = arith.addi %add3A_158, %add3A_159 : i32
      %dma_start3A_161 = arith.constant 0 : i32
      %dma_start3A_162 = tpu.memref_slice %arg4[%add3A_160, %dma_start3A_161] : memref<16384x1024xf32, #tpu.memory_space<hbm>> -> memref<1x1024xf32, #tpu.memory_space<hbm>>
      %dma_start3A_163 = tpu.memref_squeeze %dma_start3A_162 : memref<1x1024xf32, #tpu.memory_space<hbm>> -> memref<1024xf32, #tpu.memory_space<hbm>>
      %dma_start3A_164 = arith.constant 0 : i32
      %dma_start3A_165 = tpu.memref_slice %arg6[%squeeze3A_153, %dma_start3A_164] : memref<8x1024xf32, #tpu.memory_space<vmem_shared>> -> memref<1x1024xf32, #tpu.memory_space<vmem_shared>>
      %dma_start3A_166 = tpu.memref_squeeze %dma_start3A_165 : memref<1x1024xf32, #tpu.memory_space<vmem_shared>> -> memref<1024xf32, #tpu.memory_space<vmem_shared>>
      tpu.enqueue_dma source(%dma_start3A_166 : memref<1024xf32, #tpu.memory_space<vmem_shared>>) target(%dma_start3A_163 : memref<1024xf32, #tpu.memory_space<hbm>>) target_semaphore(%arg7 : memref<!tpu.dma_semaphore, #tpu.memory_space<semaphore_mem>>)
      %slice3A_167 = vector.extract_strided_slice %get3A_19 {offsets = [10], sizes = [1], strides = [1]} : vector<16xi32> to vector<1xi32>
      %squeeze3A_168 = vector.extract %slice3A_167[0] : i32 from vector<1xi32>
      %mul3A_169 = arith.constant 32 : i32
      %mul3A_170 = arith.muli %scan3A_13, %mul3A_169 : i32
      %add3A_171 = arith.addi %mul3A_2, %mul3A_170 : i32
      %add3A_172 = arith.constant 0 : i32
      %add3A_173 = arith.addi %add3A_171, %add3A_172 : i32
      %add3A_174 = arith.constant 10 : i32
      %add3A_175 = arith.addi %add3A_173, %add3A_174 : i32
      %dma_start3A_176 = arith.constant 0 : i32
      %dma_start3A_177 = tpu.memref_slice %arg4[%add3A_175, %dma_start3A_176] : memref<16384x1024xf32, #tpu.memory_space<hbm>> -> memref<1x1024xf32, #tpu.memory_space<hbm>>
      %dma_start3A_178 = tpu.memref_squeeze %dma_start3A_177 : memref<1x1024xf32, #tpu.memory_space<hbm>> -> memref<1024xf32, #tpu.memory_space<hbm>>
      %dma_start3A_179 = arith.constant 0 : i32
      %dma_start3A_180 = tpu.memref_slice %arg6[%squeeze3A_168, %dma_start3A_179] : memref<8x1024xf32, #tpu.memory_space<vmem_shared>> -> memref<1x1024xf32, #tpu.memory_space<vmem_shared>>
      %dma_start3A_181 = tpu.memref_squeeze %dma_start3A_180 : memref<1x1024xf32, #tpu.memory_space<vmem_shared>> -> memref<1024xf32, #tpu.memory_space<vmem_shared>>
      tpu.enqueue_dma source(%dma_start3A_181 : memref<1024xf32, #tpu.memory_space<vmem_shared>>) target(%dma_start3A_178 : memref<1024xf32, #tpu.memory_space<hbm>>) target_semaphore(%arg7 : memref<!tpu.dma_semaphore, #tpu.memory_space<semaphore_mem>>)
      %slice3A_182 = vector.extract_strided_slice %get3A_19 {offsets = [11], sizes = [1], strides = [1]} : vector<16xi32> to vector<1xi32>
      %squeeze3A_183 = vector.extract %slice3A_182[0] : i32 from vector<1xi32>
      %mul3A_184 = arith.constant 32 : i32
      %mul3A_185 = arith.muli %scan3A_13, %mul3A_184 : i32
      %add3A_186 = arith.addi %mul3A_2, %mul3A_185 : i32
      %add3A_187 = arith.constant 0 : i32
      %add3A_188 = arith.addi %add3A_186, %add3A_187 : i32
      %add3A_189 = arith.constant 11 : i32
      %add3A_190 = arith.addi %add3A_188, %add3A_189 : i32
      %dma_start3A_191 = arith.constant 0 : i32
      %dma_start3A_192 = tpu.memref_slice %arg4[%add3A_190, %dma_start3A_191] : memref<16384x1024xf32, #tpu.memory_space<hbm>> -> memref<1x1024xf32, #tpu.memory_space<hbm>>
      %dma_start3A_193 = tpu.memref_squeeze %dma_start3A_192 : memref<1x1024xf32, #tpu.memory_space<hbm>> -> memref<1024xf32, #tpu.memory_space<hbm>>
      %dma_start3A_194 = arith.constant 0 : i32
      %dma_start3A_195 = tpu.memref_slice %arg6[%squeeze3A_183, %dma_start3A_194] : memref<8x1024xf32, #tpu.memory_space<vmem_shared>> -> memref<1x1024xf32, #tpu.memory_space<vmem_shared>>
      %dma_start3A_196 = tpu.memref_squeeze %dma_start3A_195 : memref<1x1024xf32, #tpu.memory_space<vmem_shared>> -> memref<1024xf32, #tpu.memory_space<vmem_shared>>
      tpu.enqueue_dma source(%dma_start3A_196 : memref<1024xf32, #tpu.memory_space<vmem_shared>>) target(%dma_start3A_193 : memref<1024xf32, #tpu.memory_space<hbm>>) target_semaphore(%arg7 : memref<!tpu.dma_semaphore, #tpu.memory_space<semaphore_mem>>)
      %slice3A_197 = vector.extract_strided_slice %get3A_19 {offsets = [12], sizes = [1], strides = [1]} : vector<16xi32> to vector<1xi32>
      %squeeze3A_198 = vector.extract %slice3A_197[0] : i32 from vector<1xi32>
      %mul3A_199 = arith.constant 32 : i32
      %mul3A_200 = arith.muli %scan3A_13, %mul3A_199 : i32
      %add3A_201 = arith.addi %mul3A_2, %mul3A_200 : i32
      %add3A_202 = arith.constant 0 : i32
      %add3A_203 = arith.addi %add3A_201, %add3A_202 : i32
      %add3A_204 = arith.constant 12 : i32
      %add3A_205 = arith.addi %add3A_203, %add3A_204 : i32
      %dma_start3A_206 = arith.constant 0 : i32
      %dma_start3A_207 = tpu.memref_slice %arg4[%add3A_205, %dma_start3A_206] : memref<16384x1024xf32, #tpu.memory_space<hbm>> -> memref<1x1024xf32, #tpu.memory_space<hbm>>
      %dma_start3A_208 = tpu.memref_squeeze %dma_start3A_207 : memref<1x1024xf32, #tpu.memory_space<hbm>> -> memref<1024xf32, #tpu.memory_space<hbm>>
      %dma_start3A_209 = arith.constant 0 : i32
      %dma_start3A_210 = tpu.memref_slice %arg6[%squeeze3A_198, %dma_start3A_209] : memref<8x1024xf32, #tpu.memory_space<vmem_shared>> -> memref<1x1024xf32, #tpu.memory_space<vmem_shared>>
      %dma_start3A_211 = tpu.memref_squeeze %dma_start3A_210 : memref<1x1024xf32, #tpu.memory_space<vmem_shared>> -> memref<1024xf32, #tpu.memory_space<vmem_shared>>
      tpu.enqueue_dma source(%dma_start3A_211 : memref<1024xf32, #tpu.memory_space<vmem_shared>>) target(%dma_start3A_208 : memref<1024xf32, #tpu.memory_space<hbm>>) target_semaphore(%arg7 : memref<!tpu.dma_semaphore, #tpu.memory_space<semaphore_mem>>)
      %slice3A_212 = vector.extract_strided_slice %get3A_19 {offsets = [13], sizes = [1], strides = [1]} : vector<16xi32> to vector<1xi32>
      %squeeze3A_213 = vector.extract %slice3A_212[0] : i32 from vector<1xi32>
      %mul3A_214 = arith.constant 32 : i32
      %mul3A_215 = arith.muli %scan3A_13, %mul3A_214 : i32
      %add3A_216 = arith.addi %mul3A_2, %mul3A_215 : i32
      %add3A_217 = arith.constant 0 : i32
      %add3A_218 = arith.addi %add3A_216, %add3A_217 : i32
      %add3A_219 = arith.constant 13 : i32
      %add3A_220 = arith.addi %add3A_218, %add3A_219 : i32
      %dma_start3A_221 = arith.constant 0 : i32
      %dma_start3A_222 = tpu.memref_slice %arg4[%add3A_220, %dma_start3A_221] : memref<16384x1024xf32, #tpu.memory_space<hbm>> -> memref<1x1024xf32, #tpu.memory_space<hbm>>
      %dma_start3A_223 = tpu.memref_squeeze %dma_start3A_222 : memref<1x1024xf32, #tpu.memory_space<hbm>> -> memref<1024xf32, #tpu.memory_space<hbm>>
      %dma_start3A_224 = arith.constant 0 : i32
      %dma_start3A_225 = tpu.memref_slice %arg6[%squeeze3A_213, %dma_start3A_224] : memref<8x1024xf32, #tpu.memory_space<vmem_shared>> -> memref<1x1024xf32, #tpu.memory_space<vmem_shared>>
      %dma_start3A_226 = tpu.memref_squeeze %dma_start3A_225 : memref<1x1024xf32, #tpu.memory_space<vmem_shared>> -> memref<1024xf32, #tpu.memory_space<vmem_shared>>
      tpu.enqueue_dma source(%dma_start3A_226 : memref<1024xf32, #tpu.memory_space<vmem_shared>>) target(%dma_start3A_223 : memref<1024xf32, #tpu.memory_space<hbm>>) target_semaphore(%arg7 : memref<!tpu.dma_semaphore, #tpu.memory_space<semaphore_mem>>)
      %slice3A_227 = vector.extract_strided_slice %get3A_19 {offsets = [14], sizes = [1], strides = [1]} : vector<16xi32> to vector<1xi32>
      %squeeze3A_228 = vector.extract %slice3A_227[0] : i32 from vector<1xi32>
      %mul3A_229 = arith.constant 32 : i32
      %mul3A_230 = arith.muli %scan3A_13, %mul3A_229 : i32
      %add3A_231 = arith.addi %mul3A_2, %mul3A_230 : i32
      %add3A_232 = arith.constant 0 : i32
      %add3A_233 = arith.addi %add3A_231, %add3A_232 : i32
      %add3A_234 = arith.constant 14 : i32
      %add3A_235 = arith.addi %add3A_233, %add3A_234 : i32
      %dma_start3A_236 = arith.constant 0 : i32
      %dma_start3A_237 = tpu.memref_slice %arg4[%add3A_235, %dma_start3A_236] : memref<16384x1024xf32, #tpu.memory_space<hbm>> -> memref<1x1024xf32, #tpu.memory_space<hbm>>
      %dma_start3A_238 = tpu.memref_squeeze %dma_start3A_237 : memref<1x1024xf32, #tpu.memory_space<hbm>> -> memref<1024xf32, #tpu.memory_space<hbm>>
      %dma_start3A_239 = arith.constant 0 : i32
      %dma_start3A_240 = tpu.memref_slice %arg6[%squeeze3A_228, %dma_start3A_239] : memref<8x1024xf32, #tpu.memory_space<vmem_shared>> -> memref<1x1024xf32, #tpu.memory_space<vmem_shared>>
      %dma_start3A_241 = tpu.memref_squeeze %dma_start3A_240 : memref<1x1024xf32, #tpu.memory_space<vmem_shared>> -> memref<1024xf32, #tpu.memory_space<vmem_shared>>
      tpu.enqueue_dma source(%dma_start3A_241 : memref<1024xf32, #tpu.memory_space<vmem_shared>>) target(%dma_start3A_238 : memref<1024xf32, #tpu.memory_space<hbm>>) target_semaphore(%arg7 : memref<!tpu.dma_semaphore, #tpu.memory_space<semaphore_mem>>)
      %slice3A_242 = vector.extract_strided_slice %get3A_19 {offsets = [15], sizes = [1], strides = [1]} : vector<16xi32> to vector<1xi32>
      %squeeze3A_243 = vector.extract %slice3A_242[0] : i32 from vector<1xi32>
      %mul3A_244 = arith.constant 32 : i32
      %mul3A_245 = arith.muli %scan3A_13, %mul3A_244 : i32
      %add3A_246 = arith.addi %mul3A_2, %mul3A_245 : i32
      %add3A_247 = arith.constant 0 : i32
      %add3A_248 = arith.addi %add3A_246, %add3A_247 : i32
      %add3A_249 = arith.constant 15 : i32
      %add3A_250 = arith.addi %add3A_248, %add3A_249 : i32
      %dma_start3A_251 = arith.constant 0 : i32
      %dma_start3A_252 = tpu.memref_slice %arg4[%add3A_250, %dma_start3A_251] : memref<16384x1024xf32, #tpu.memory_space<hbm>> -> memref<1x1024xf32, #tpu.memory_space<hbm>>
      %dma_start3A_253 = tpu.memref_squeeze %dma_start3A_252 : memref<1x1024xf32, #tpu.memory_space<hbm>> -> memref<1024xf32, #tpu.memory_space<hbm>>
      %dma_start3A_254 = arith.constant 0 : i32
      %dma_start3A_255 = tpu.memref_slice %arg6[%squeeze3A_243, %dma_start3A_254] : memref<8x1024xf32, #tpu.memory_space<vmem_shared>> -> memref<1x1024xf32, #tpu.memory_space<vmem_shared>>
      %dma_start3A_256 = tpu.memref_squeeze %dma_start3A_255 : memref<1x1024xf32, #tpu.memory_space<vmem_shared>> -> memref<1024xf32, #tpu.memory_space<vmem_shared>>
      tpu.enqueue_dma source(%dma_start3A_256 : memref<1024xf32, #tpu.memory_space<vmem_shared>>) target(%dma_start3A_253 : memref<1024xf32, #tpu.memory_space<hbm>>) target_semaphore(%arg7 : memref<!tpu.dma_semaphore, #tpu.memory_space<semaphore_mem>>)
      %mul3A_257 = arith.constant 32 : i32
      %mul3A_258 = arith.muli %scan3A_13, %mul3A_257 : i32
      %add3A_259 = arith.constant 16 : i32
      %add3A_260 = arith.addi %mul3A_258, %add3A_259 : i32
      %get3A_261 = arith.index_cast %add3A_260 : i32 to index
      %get3A_262 = tpu.vector_load %arg5[%get3A_261] {strides = array<i32>} : memref<512xi32, #tpu.memory_space<vmem>>, vector<16xi32>,
      %get3A_263 = vector.shape_cast %get3A_262 : vector<16xi32> to vector<16xi32>
      %slice3A_264 = vector.extract_strided_slice %get3A_263 {offsets = [0], sizes = [1], strides = [1]} : vector<16xi32> to vector<1xi32>
      %squeeze3A_265 = vector.extract %slice3A_264[0] : i32 from vector<1xi32>
      %mul3A_266 = arith.constant 32 : i32
      %mul3A_267 = arith.muli %scan3A_13, %mul3A_266 : i32
      %add3A_268 = arith.addi %mul3A_2, %mul3A_267 : i32
      %add3A_269 = arith.constant 16 : i32
      %add3A_270 = arith.addi %add3A_268, %add3A_269 : i32
      %add3A_271 = arith.constant 0 : i32
      %add3A_272 = arith.addi %add3A_270, %add3A_271 : i32
      %dma_start3A_273 = arith.constant 0 : i32
      %dma_start3A_274 = tpu.memref_slice %arg4[%add3A_272, %dma_start3A_273] : memref<16384x1024xf32, #tpu.memory_space<hbm>> -> memref<1x1024xf32, #tpu.memory_space<hbm>>
      %dma_start3A_275 = tpu.memref_squeeze %dma_start3A_274 : memref<1x1024xf32, #tpu.memory_space<hbm>> -> memref<1024xf32, #tpu.memory_space<hbm>>
      %dma_start3A_276 = arith.constant 0 : i32
      %dma_start3A_277 = tpu.memref_slice %arg6[%squeeze3A_265, %dma_start3A_276] : memref<8x1024xf32, #tpu.memory_space<vmem_shared>> -> memref<1x1024xf32, #tpu.memory_space<vmem_shared>>
      %dma_start3A_278 = tpu.memref_squeeze %dma_start3A_277 : memref<1x1024xf32, #tpu.memory_space<vmem_shared>> -> memref<1024xf32, #tpu.memory_space<vmem_shared>>
      tpu.enqueue_dma source(%dma_start3A_278 : memref<1024xf32, #tpu.memory_space<vmem_shared>>) target(%dma_start3A_275 : memref<1024xf32, #tpu.memory_space<hbm>>) target_semaphore(%arg7 : memref<!tpu.dma_semaphore, #tpu.memory_space<semaphore_mem>>)
      %slice3A_279 = vector.extract_strided_slice %get3A_263 {offsets = [1], sizes = [1], strides = [1]} : vector<16xi32> to vector<1xi32>
      %squeeze3A_280 = vector.extract %slice3A_279[0] : i32 from vector<1xi32>
      %mul3A_281 = arith.constant 32 : i32
      %mul3A_282 = arith.muli %scan3A_13, %mul3A_281 : i32
      %add3A_283 = arith.addi %mul3A_2, %mul3A_282 : i32
      %add3A_284 = arith.constant 16 : i32
      %add3A_285 = arith.addi %add3A_283, %add3A_284 : i32
      %add3A_286 = arith.constant 1 : i32
      %add3A_287 = arith.addi %add3A_285, %add3A_286 : i32
      %dma_start3A_288 = arith.constant 0 : i32
      %dma_start3A_289 = tpu.memref_slice %arg4[%add3A_287, %dma_start3A_288] : memref<16384x1024xf32, #tpu.memory_space<hbm>> -> memref<1x1024xf32, #tpu.memory_space<hbm>>
      %dma_start3A_290 = tpu.memref_squeeze %dma_start3A_289 : memref<1x1024xf32, #tpu.memory_space<hbm>> -> memref<1024xf32, #tpu.memory_space<hbm>>
      %dma_start3A_291 = arith.constant 0 : i32
      %dma_start3A_292 = tpu.memref_slice %arg6[%squeeze3A_280, %dma_start3A_291] : memref<8x1024xf32, #tpu.memory_space<vmem_shared>> -> memref<1x1024xf32, #tpu.memory_space<vmem_shared>>
      %dma_start3A_293 = tpu.memref_squeeze %dma_start3A_292 : memref<1x1024xf32, #tpu.memory_space<vmem_shared>> -> memref<1024xf32, #tpu.memory_space<vmem_shared>>
      tpu.enqueue_dma source(%dma_start3A_293 : memref<1024xf32, #tpu.memory_space<vmem_shared>>) target(%dma_start3A_290 : memref<1024xf32, #tpu.memory_space<hbm>>) target_semaphore(%arg7 : memref<!tpu.dma_semaphore, #tpu.memory_space<semaphore_mem>>)
      %slice3A_294 = vector.extract_strided_slice %get3A_263 {offsets = [2], sizes = [1], strides = [1]} : vector<16xi32> to vector<1xi32>
      %squeeze3A_295 = vector.extract %slice3A_294[0] : i32 from vector<1xi32>
      %mul3A_296 = arith.constant 32 : i32
      %mul3A_297 = arith.muli %scan3A_13, %mul3A_296 : i32
      %add3A_298 = arith.addi %mul3A_2, %mul3A_297 : i32
      %add3A_299 = arith.constant 16 : i32
      %add3A_300 = arith.addi %add3A_298, %add3A_299 : i32
      %add3A_301 = arith.constant 2 : i32
      %add3A_302 = arith.addi %add3A_300, %add3A_301 : i32
      %dma_start3A_303 = arith.constant 0 : i32
      %dma_start3A_304 = tpu.memref_slice %arg4[%add3A_302, %dma_start3A_303] : memref<16384x1024xf32, #tpu.memory_space<hbm>> -> memref<1x1024xf32, #tpu.memory_space<hbm>>
      %dma_start3A_305 = tpu.memref_squeeze %dma_start3A_304 : memref<1x1024xf32, #tpu.memory_space<hbm>> -> memref<1024xf32, #tpu.memory_space<hbm>>
      %dma_start3A_306 = arith.constant 0 : i32
      %dma_start3A_307 = tpu.memref_slice %arg6[%squeeze3A_295, %dma_start3A_306] : memref<8x1024xf32, #tpu.memory_space<vmem_shared>> -> memref<1x1024xf32, #tpu.memory_space<vmem_shared>>
      %dma_start3A_308 = tpu.memref_squeeze %dma_start3A_307 : memref<1x1024xf32, #tpu.memory_space<vmem_shared>> -> memref<1024xf32, #tpu.memory_space<vmem_shared>>
      tpu.enqueue_dma source(%dma_start3A_308 : memref<1024xf32, #tpu.memory_space<vmem_shared>>) target(%dma_start3A_305 : memref<1024xf32, #tpu.memory_space<hbm>>) target_semaphore(%arg7 : memref<!tpu.dma_semaphore, #tpu.memory_space<semaphore_mem>>)
      %slice3A_309 = vector.extract_strided_slice %get3A_263 {offsets = [3], sizes = [1], strides = [1]} : vector<16xi32> to vector<1xi32>
      %squeeze3A_310 = vector.extract %slice3A_309[0] : i32 from vector<1xi32>
      %mul3A_311 = arith.constant 32 : i32
      %mul3A_312 = arith.muli %scan3A_13, %mul3A_311 : i32
      %add3A_313 = arith.addi %mul3A_2, %mul3A_312 : i32
      %add3A_314 = arith.constant 16 : i32
      %add3A_315 = arith.addi %add3A_313, %add3A_314 : i32
      %add3A_316 = arith.constant 3 : i32
      %add3A_317 = arith.addi %add3A_315, %add3A_316 : i32
      %dma_start3A_318 = arith.constant 0 : i32
      %dma_start3A_319 = tpu.memref_slice %arg4[%add3A_317, %dma_start3A_318] : memref<16384x1024xf32, #tpu.memory_space<hbm>> -> memref<1x1024xf32, #tpu.memory_space<hbm>>
      %dma_start3A_320 = tpu.memref_squeeze %dma_start3A_319 : memref<1x1024xf32, #tpu.memory_space<hbm>> -> memref<1024xf32, #tpu.memory_space<hbm>>
      %dma_start3A_321 = arith.constant 0 : i32
      %dma_start3A_322 = tpu.memref_slice %arg6[%squeeze3A_310, %dma_start3A_321] : memref<8x1024xf32, #tpu.memory_space<vmem_shared>> -> memref<1x1024xf32, #tpu.memory_space<vmem_shared>>
      %dma_start3A_323 = tpu.memref_squeeze %dma_start3A_322 : memref<1x1024xf32, #tpu.memory_space<vmem_shared>> -> memref<1024xf32, #tpu.memory_space<vmem_shared>>
      tpu.enqueue_dma source(%dma_start3A_323 : memref<1024xf32, #tpu.memory_space<vmem_shared>>) target(%dma_start3A_320 : memref<1024xf32, #tpu.memory_space<hbm>>) target_semaphore(%arg7 : memref<!tpu.dma_semaphore, #tpu.memory_space<semaphore_mem>>)
      %slice3A_324 = vector.extract_strided_slice %get3A_263 {offsets = [4], sizes = [1], strides = [1]} : vector<16xi32> to vector<1xi32>
      %squeeze3A_325 = vector.extract %slice3A_324[0] : i32 from vector<1xi32>
      %mul3A_326 = arith.constant 32 : i32
      %mul3A_327 = arith.muli %scan3A_13, %mul3A_326 : i32
      %add3A_328 = arith.addi %mul3A_2, %mul3A_327 : i32
      %add3A_329 = arith.constant 16 : i32
      %add3A_330 = arith.addi %add3A_328, %add3A_329 : i32
      %add3A_331 = arith.constant 4 : i32
      %add3A_332 = arith.addi %add3A_330, %add3A_331 : i32
      %dma_start3A_333 = arith.constant 0 : i32
      %dma_start3A_334 = tpu.memref_slice %arg4[%add3A_332, %dma_start3A_333] : memref<16384x1024xf32, #tpu.memory_space<hbm>> -> memref<1x1024xf32, #tpu.memory_space<hbm>>
      %dma_start3A_335 = tpu.memref_squeeze %dma_start3A_334 : memref<1x1024xf32, #tpu.memory_space<hbm>> -> memref<1024xf32, #tpu.memory_space<hbm>>
      %dma_start3A_336 = arith.constant 0 : i32
      %dma_start3A_337 = tpu.memref_slice %arg6[%squeeze3A_325, %dma_start3A_336] : memref<8x1024xf32, #tpu.memory_space<vmem_shared>> -> memref<1x1024xf32, #tpu.memory_space<vmem_shared>>
      %dma_start3A_338 = tpu.memref_squeeze %dma_start3A_337 : memref<1x1024xf32, #tpu.memory_space<vmem_shared>> -> memref<1024xf32, #tpu.memory_space<vmem_shared>>
      tpu.enqueue_dma source(%dma_start3A_338 : memref<1024xf32, #tpu.memory_space<vmem_shared>>) target(%dma_start3A_335 : memref<1024xf32, #tpu.memory_space<hbm>>) target_semaphore(%arg7 : memref<!tpu.dma_semaphore, #tpu.memory_space<semaphore_mem>>)
      %slice3A_339 = vector.extract_strided_slice %get3A_263 {offsets = [5], sizes = [1], strides = [1]} : vector<16xi32> to vector<1xi32>
      %squeeze3A_340 = vector.extract %slice3A_339[0] : i32 from vector<1xi32>
      %mul3A_341 = arith.constant 32 : i32
      %mul3A_342 = arith.muli %scan3A_13, %mul3A_341 : i32
      %add3A_343 = arith.addi %mul3A_2, %mul3A_342 : i32
      %add3A_344 = arith.constant 16 : i32
      %add3A_345 = arith.addi %add3A_343, %add3A_344 : i32
      %add3A_346 = arith.constant 5 : i32
      %add3A_347 = arith.addi %add3A_345, %add3A_346 : i32
      %dma_start3A_348 = arith.constant 0 : i32
      %dma_start3A_349 = tpu.memref_slice %arg4[%add3A_347, %dma_start3A_348] : memref<16384x1024xf32, #tpu.memory_space<hbm>> -> memref<1x1024xf32, #tpu.memory_space<hbm>>
      %dma_start3A_350 = tpu.memref_squeeze %dma_start3A_349 : memref<1x1024xf32, #tpu.memory_space<hbm>> -> memref<1024xf32, #tpu.memory_space<hbm>>
      %dma_start3A_351 = arith.constant 0 : i32
      %dma_start3A_352 = tpu.memref_slice %arg6[%squeeze3A_340, %dma_start3A_351] : memref<8x1024xf32, #tpu.memory_space<vmem_shared>> -> memref<1x1024xf32, #tpu.memory_space<vmem_shared>>
      %dma_start3A_353 = tpu.memref_squeeze %dma_start3A_352 : memref<1x1024xf32, #tpu.memory_space<vmem_shared>> -> memref<1024xf32, #tpu.memory_space<vmem_shared>>
      tpu.enqueue_dma source(%dma_start3A_353 : memref<1024xf32, #tpu.memory_space<vmem_shared>>) target(%dma_start3A_350 : memref<1024xf32, #tpu.memory_space<hbm>>) target_semaphore(%arg7 : memref<!tpu.dma_semaphore, #tpu.memory_space<semaphore_mem>>)
      %slice3A_354 = vector.extract_strided_slice %get3A_263 {offsets = [6], sizes = [1], strides = [1]} : vector<16xi32> to vector<1xi32>
      %squeeze3A_355 = vector.extract %slice3A_354[0] : i32 from vector<1xi32>
      %mul3A_356 = arith.constant 32 : i32
      %mul3A_357 = arith.muli %scan3A_13, %mul3A_356 : i32
      %add3A_358 = arith.addi %mul3A_2, %mul3A_357 : i32
      %add3A_359 = arith.constant 16 : i32
      %add3A_360 = arith.addi %add3A_358, %add3A_359 : i32
      %add3A_361 = arith.constant 6 : i32
      %add3A_362 = arith.addi %add3A_360, %add3A_361 : i32
      %dma_start3A_363 = arith.constant 0 : i32
      %dma_start3A_364 = tpu.memref_slice %arg4[%add3A_362, %dma_start3A_363] : memref<16384x1024xf32, #tpu.memory_space<hbm>> -> memref<1x1024xf32, #tpu.memory_space<hbm>>
      %dma_start3A_365 = tpu.memref_squeeze %dma_start3A_364 : memref<1x1024xf32, #tpu.memory_space<hbm>> -> memref<1024xf32, #tpu.memory_space<hbm>>
      %dma_start3A_366 = arith.constant 0 : i32
      %dma_start3A_367 = tpu.memref_slice %arg6[%squeeze3A_355, %dma_start3A_366] : memref<8x1024xf32, #tpu.memory_space<vmem_shared>> -> memref<1x1024xf32, #tpu.memory_space<vmem_shared>>
      %dma_start3A_368 = tpu.memref_squeeze %dma_start3A_367 : memref<1x1024xf32, #tpu.memory_space<vmem_shared>> -> memref<1024xf32, #tpu.memory_space<vmem_shared>>
      tpu.enqueue_dma source(%dma_start3A_368 : memref<1024xf32, #tpu.memory_space<vmem_shared>>) target(%dma_start3A_365 : memref<1024xf32, #tpu.memory_space<hbm>>) target_semaphore(%arg7 : memref<!tpu.dma_semaphore, #tpu.memory_space<semaphore_mem>>)
      %slice3A_369 = vector.extract_strided_slice %get3A_263 {offsets = [7], sizes = [1], strides = [1]} : vector<16xi32> to vector<1xi32>
      %squeeze3A_370 = vector.extract %slice3A_369[0] : i32 from vector<1xi32>
      %mul3A_371 = arith.constant 32 : i32
      %mul3A_372 = arith.muli %scan3A_13, %mul3A_371 : i32
      %add3A_373 = arith.addi %mul3A_2, %mul3A_372 : i32
      %add3A_374 = arith.constant 16 : i32
      %add3A_375 = arith.addi %add3A_373, %add3A_374 : i32
      %add3A_376 = arith.constant 7 : i32
      %add3A_377 = arith.addi %add3A_375, %add3A_376 : i32
      %dma_start3A_378 = arith.constant 0 : i32
      %dma_start3A_379 = tpu.memref_slice %arg4[%add3A_377, %dma_start3A_378] : memref<16384x1024xf32, #tpu.memory_space<hbm>> -> memref<1x1024xf32, #tpu.memory_space<hbm>>
      %dma_start3A_380 = tpu.memref_squeeze %dma_start3A_379 : memref<1x1024xf32, #tpu.memory_space<hbm>> -> memref<1024xf32, #tpu.memory_space<hbm>>
      %dma_start3A_381 = arith.constant 0 : i32
      %dma_start3A_382 = tpu.memref_slice %arg6[%squeeze3A_370, %dma_start3A_381] : memref<8x1024xf32, #tpu.memory_space<vmem_shared>> -> memref<1x1024xf32, #tpu.memory_space<vmem_shared>>
      %dma_start3A_383 = tpu.memref_squeeze %dma_start3A_382 : memref<1x1024xf32, #tpu.memory_space<vmem_shared>> -> memref<1024xf32, #tpu.memory_space<vmem_shared>>
      tpu.enqueue_dma source(%dma_start3A_383 : memref<1024xf32, #tpu.memory_space<vmem_shared>>) target(%dma_start3A_380 : memref<1024xf32, #tpu.memory_space<hbm>>) target_semaphore(%arg7 : memref<!tpu.dma_semaphore, #tpu.memory_space<semaphore_mem>>)
      %slice3A_384 = vector.extract_strided_slice %get3A_263 {offsets = [8], sizes = [1], strides = [1]} : vector<16xi32> to vector<1xi32>
      %squeeze3A_385 = vector.extract %slice3A_384[0] : i32 from vector<1xi32>
      %mul3A_386 = arith.constant 32 : i32
      %mul3A_387 = arith.muli %scan3A_13, %mul3A_386 : i32
      %add3A_388 = arith.addi %mul3A_2, %mul3A_387 : i32
      %add3A_389 = arith.constant 16 : i32
      %add3A_390 = arith.addi %add3A_388, %add3A_389 : i32
      %add3A_391 = arith.constant 8 : i32
      %add3A_392 = arith.addi %add3A_390, %add3A_391 : i32
      %dma_start3A_393 = arith.constant 0 : i32
      %dma_start3A_394 = tpu.memref_slice %arg4[%add3A_392, %dma_start3A_393] : memref<16384x1024xf32, #tpu.memory_space<hbm>> -> memref<1x1024xf32, #tpu.memory_space<hbm>>
      %dma_start3A_395 = tpu.memref_squeeze %dma_start3A_394 : memref<1x1024xf32, #tpu.memory_space<hbm>> -> memref<1024xf32, #tpu.memory_space<hbm>>
      %dma_start3A_396 = arith.constant 0 : i32
      %dma_start3A_397 = tpu.memref_slice %arg6[%squeeze3A_385, %dma_start3A_396] : memref<8x1024xf32, #tpu.memory_space<vmem_shared>> -> memref<1x1024xf32, #tpu.memory_space<vmem_shared>>
      %dma_start3A_398 = tpu.memref_squeeze %dma_start3A_397 : memref<1x1024xf32, #tpu.memory_space<vmem_shared>> -> memref<1024xf32, #tpu.memory_space<vmem_shared>>
      tpu.enqueue_dma source(%dma_start3A_398 : memref<1024xf32, #tpu.memory_space<vmem_shared>>) target(%dma_start3A_395 : memref<1024xf32, #tpu.memory_space<hbm>>) target_semaphore(%arg7 : memref<!tpu.dma_semaphore, #tpu.memory_space<semaphore_mem>>)
      %slice3A_399 = vector.extract_strided_slice %get3A_263 {offsets = [9], sizes = [1], strides = [1]} : vector<16xi32> to vector<1xi32>
      %squeeze3A_400 = vector.extract %slice3A_399[0] : i32 from vector<1xi32>
      %mul3A_401 = arith.constant 32 : i32
      %mul3A_402 = arith.muli %scan3A_13, %mul3A_401 : i32
      %add3A_403 = arith.addi %mul3A_2, %mul3A_402 : i32
      %add3A_404 = arith.constant 16 : i32
      %add3A_405 = arith.addi %add3A_403, %add3A_404 : i32
      %add3A_406 = arith.constant 9 : i32
      %add3A_407 = arith.addi %add3A_405, %add3A_406 : i32
      %dma_start3A_408 = arith.constant 0 : i32
      %dma_start3A_409 = tpu.memref_slice %arg4[%add3A_407, %dma_start3A_408] : memref<16384x1024xf32, #tpu.memory_space<hbm>> -> memref<1x1024xf32, #tpu.memory_space<hbm>>
      %dma_start3A_410 = tpu.memref_squeeze %dma_start3A_409 : memref<1x1024xf32, #tpu.memory_space<hbm>> -> memref<1024xf32, #tpu.memory_space<hbm>>
      %dma_start3A_411 = arith.constant 0 : i32
      %dma_start3A_412 = tpu.memref_slice %arg6[%squeeze3A_400, %dma_start3A_411] : memref<8x1024xf32, #tpu.memory_space<vmem_shared>> -> memref<1x1024xf32, #tpu.memory_space<vmem_shared>>
      %dma_start3A_413 = tpu.memref_squeeze %dma_start3A_412 : memref<1x1024xf32, #tpu.memory_space<vmem_shared>> -> memref<1024xf32, #tpu.memory_space<vmem_shared>>
      tpu.enqueue_dma source(%dma_start3A_413 : memref<1024xf32, #tpu.memory_space<vmem_shared>>) target(%dma_start3A_410 : memref<1024xf32, #tpu.memory_space<hbm>>) target_semaphore(%arg7 : memref<!tpu.dma_semaphore, #tpu.memory_space<semaphore_mem>>)
      %slice3A_414 = vector.extract_strided_slice %get3A_263 {offsets = [10], sizes = [1], strides = [1]} : vector<16xi32> to vector<1xi32>
      %squeeze3A_415 = vector.extract %slice3A_414[0] : i32 from vector<1xi32>
      %mul3A_416 = arith.constant 32 : i32
      %mul3A_417 = arith.muli %scan3A_13, %mul3A_416 : i32
      %add3A_418 = arith.addi %mul3A_2, %mul3A_417 : i32
      %add3A_419 = arith.constant 16 : i32
      %add3A_420 = arith.addi %add3A_418, %add3A_419 : i32
      %add3A_421 = arith.constant 10 : i32
      %add3A_422 = arith.addi %add3A_420, %add3A_421 : i32
      %dma_start3A_423 = arith.constant 0 : i32
      %dma_start3A_424 = tpu.memref_slice %arg4[%add3A_422, %dma_start3A_423] : memref<16384x1024xf32, #tpu.memory_space<hbm>> -> memref<1x1024xf32, #tpu.memory_space<hbm>>
      %dma_start3A_425 = tpu.memref_squeeze %dma_start3A_424 : memref<1x1024xf32, #tpu.memory_space<hbm>> -> memref<1024xf32, #tpu.memory_space<hbm>>
      %dma_start3A_426 = arith.constant 0 : i32
      %dma_start3A_427 = tpu.memref_slice %arg6[%squeeze3A_415, %dma_start3A_426] : memref<8x1024xf32, #tpu.memory_space<vmem_shared>> -> memref<1x1024xf32, #tpu.memory_space<vmem_shared>>
      %dma_start3A_428 = tpu.memref_squeeze %dma_start3A_427 : memref<1x1024xf32, #tpu.memory_space<vmem_shared>> -> memref<1024xf32, #tpu.memory_space<vmem_shared>>
      tpu.enqueue_dma source(%dma_start3A_428 : memref<1024xf32, #tpu.memory_space<vmem_shared>>) target(%dma_start3A_425 : memref<1024xf32, #tpu.memory_space<hbm>>) target_semaphore(%arg7 : memref<!tpu.dma_semaphore, #tpu.memory_space<semaphore_mem>>)
      %slice3A_429 = vector.extract_strided_slice %get3A_263 {offsets = [11], sizes = [1], strides = [1]} : vector<16xi32> to vector<1xi32>
      %squeeze3A_430 = vector.extract %slice3A_429[0] : i32 from vector<1xi32>
      %mul3A_431 = arith.constant 32 : i32
      %mul3A_432 = arith.muli %scan3A_13, %mul3A_431 : i32
      %add3A_433 = arith.addi %mul3A_2, %mul3A_432 : i32
      %add3A_434 = arith.constant 16 : i32
      %add3A_435 = arith.addi %add3A_433, %add3A_434 : i32
      %add3A_436 = arith.constant 11 : i32
      %add3A_437 = arith.addi %add3A_435, %add3A_436 : i32
      %dma_start3A_438 = arith.constant 0 : i32
      %dma_start3A_439 = tpu.memref_slice %arg4[%add3A_437, %dma_start3A_438] : memref<16384x1024xf32, #tpu.memory_space<hbm>> -> memref<1x1024xf32, #tpu.memory_space<hbm>>
      %dma_start3A_440 = tpu.memref_squeeze %dma_start3A_439 : memref<1x1024xf32, #tpu.memory_space<hbm>> -> memref<1024xf32, #tpu.memory_space<hbm>>
      %dma_start3A_441 = arith.constant 0 : i32
      %dma_start3A_442 = tpu.memref_slice %arg6[%squeeze3A_430, %dma_start3A_441] : memref<8x1024xf32, #tpu.memory_space<vmem_shared>> -> memref<1x1024xf32, #tpu.memory_space<vmem_shared>>
      %dma_start3A_443 = tpu.memref_squeeze %dma_start3A_442 : memref<1x1024xf32, #tpu.memory_space<vmem_shared>> -> memref<1024xf32, #tpu.memory_space<vmem_shared>>
      tpu.enqueue_dma source(%dma_start3A_443 : memref<1024xf32, #tpu.memory_space<vmem_shared>>) target(%dma_start3A_440 : memref<1024xf32, #tpu.memory_space<hbm>>) target_semaphore(%arg7 : memref<!tpu.dma_semaphore, #tpu.memory_space<semaphore_mem>>)
      %slice3A_444 = vector.extract_strided_slice %get3A_263 {offsets = [12], sizes = [1], strides = [1]} : vector<16xi32> to vector<1xi32>
      %squeeze3A_445 = vector.extract %slice3A_444[0] : i32 from vector<1xi32>
      %mul3A_446 = arith.constant 32 : i32
      %mul3A_447 = arith.muli %scan3A_13, %mul3A_446 : i32
      %add3A_448 = arith.addi %mul3A_2, %mul3A_447 : i32
      %add3A_449 = arith.constant 16 : i32
      %add3A_450 = arith.addi %add3A_448, %add3A_449 : i32
      %add3A_451 = arith.constant 12 : i32
      %add3A_452 = arith.addi %add3A_450, %add3A_451 : i32
      %dma_start3A_453 = arith.constant 0 : i32
      %dma_start3A_454 = tpu.memref_slice %arg4[%add3A_452, %dma_start3A_453] : memref<16384x1024xf32, #tpu.memory_space<hbm>> -> memref<1x1024xf32, #tpu.memory_space<hbm>>
      %dma_start3A_455 = tpu.memref_squeeze %dma_start3A_454 : memref<1x1024xf32, #tpu.memory_space<hbm>> -> memref<1024xf32, #tpu.memory_space<hbm>>
      %dma_start3A_456 = arith.constant 0 : i32
      %dma_start3A_457 = tpu.memref_slice %arg6[%squeeze3A_445, %dma_start3A_456] : memref<8x1024xf32, #tpu.memory_space<vmem_shared>> -> memref<1x1024xf32, #tpu.memory_space<vmem_shared>>
      %dma_start3A_458 = tpu.memref_squeeze %dma_start3A_457 : memref<1x1024xf32, #tpu.memory_space<vmem_shared>> -> memref<1024xf32, #tpu.memory_space<vmem_shared>>
      tpu.enqueue_dma source(%dma_start3A_458 : memref<1024xf32, #tpu.memory_space<vmem_shared>>) target(%dma_start3A_455 : memref<1024xf32, #tpu.memory_space<hbm>>) target_semaphore(%arg7 : memref<!tpu.dma_semaphore, #tpu.memory_space<semaphore_mem>>)
      %slice3A_459 = vector.extract_strided_slice %get3A_263 {offsets = [13], sizes = [1], strides = [1]} : vector<16xi32> to vector<1xi32>
      %squeeze3A_460 = vector.extract %slice3A_459[0] : i32 from vector<1xi32>
      %mul3A_461 = arith.constant 32 : i32
      %mul3A_462 = arith.muli %scan3A_13, %mul3A_461 : i32
      %add3A_463 = arith.addi %mul3A_2, %mul3A_462 : i32
      %add3A_464 = arith.constant 16 : i32
      %add3A_465 = arith.addi %add3A_463, %add3A_464 : i32
      %add3A_466 = arith.constant 13 : i32
      %add3A_467 = arith.addi %add3A_465, %add3A_466 : i32
      %dma_start3A_468 = arith.constant 0 : i32
      %dma_start3A_469 = tpu.memref_slice %arg4[%add3A_467, %dma_start3A_468] : memref<16384x1024xf32, #tpu.memory_space<hbm>> -> memref<1x1024xf32, #tpu.memory_space<hbm>>
      %dma_start3A_470 = tpu.memref_squeeze %dma_start3A_469 : memref<1x1024xf32, #tpu.memory_space<hbm>> -> memref<1024xf32, #tpu.memory_space<hbm>>
      %dma_start3A_471 = arith.constant 0 : i32
      %dma_start3A_472 = tpu.memref_slice %arg6[%squeeze3A_460, %dma_start3A_471] : memref<8x1024xf32, #tpu.memory_space<vmem_shared>> -> memref<1x1024xf32, #tpu.memory_space<vmem_shared>>
      %dma_start3A_473 = tpu.memref_squeeze %dma_start3A_472 : memref<1x1024xf32, #tpu.memory_space<vmem_shared>> -> memref<1024xf32, #tpu.memory_space<vmem_shared>>
      tpu.enqueue_dma source(%dma_start3A_473 : memref<1024xf32, #tpu.memory_space<vmem_shared>>) target(%dma_start3A_470 : memref<1024xf32, #tpu.memory_space<hbm>>) target_semaphore(%arg7 : memref<!tpu.dma_semaphore, #tpu.memory_space<semaphore_mem>>)
      %slice3A_474 = vector.extract_strided_slice %get3A_263 {offsets = [14], sizes = [1], strides = [1]} : vector<16xi32> to vector<1xi32>
      %squeeze3A_475 = vector.extract %slice3A_474[0] : i32 from vector<1xi32>
      %mul3A_476 = arith.constant 32 : i32
      %mul3A_477 = arith.muli %scan3A_13, %mul3A_476 : i32
      %add3A_478 = arith.addi %mul3A_2, %mul3A_477 : i32
      %add3A_479 = arith.constant 16 : i32
      %add3A_480 = arith.addi %add3A_478, %add3A_479 : i32
      %add3A_481 = arith.constant 14 : i32
      %add3A_482 = arith.addi %add3A_480, %add3A_481 : i32
      %dma_start3A_483 = arith.constant 0 : i32
      %dma_start3A_484 = tpu.memref_slice %arg4[%add3A_482, %dma_start3A_483] : memref<16384x1024xf32, #tpu.memory_space<hbm>> -> memref<1x1024xf32, #tpu.memory_space<hbm>>
      %dma_start3A_485 = tpu.memref_squeeze %dma_start3A_484 : memref<1x1024xf32, #tpu.memory_space<hbm>> -> memref<1024xf32, #tpu.memory_space<hbm>>
      %dma_start3A_486 = arith.constant 0 : i32
      %dma_start3A_487 = tpu.memref_slice %arg6[%squeeze3A_475, %dma_start3A_486] : memref<8x1024xf32, #tpu.memory_space<vmem_shared>> -> memref<1x1024xf32, #tpu.memory_space<vmem_shared>>
      %dma_start3A_488 = tpu.memref_squeeze %dma_start3A_487 : memref<1x1024xf32, #tpu.memory_space<vmem_shared>> -> memref<1024xf32, #tpu.memory_space<vmem_shared>>
      tpu.enqueue_dma source(%dma_start3A_488 : memref<1024xf32, #tpu.memory_space<vmem_shared>>) target(%dma_start3A_485 : memref<1024xf32, #tpu.memory_space<hbm>>) target_semaphore(%arg7 : memref<!tpu.dma_semaphore, #tpu.memory_space<semaphore_mem>>)
      %slice3A_489 = vector.extract_strided_slice %get3A_263 {offsets = [15], sizes = [1], strides = [1]} : vector<16xi32> to vector<1xi32>
      %squeeze3A_490 = vector.extract %slice3A_489[0] : i32 from vector<1xi32>
      %mul3A_491 = arith.constant 32 : i32
      %mul3A_492 = arith.muli %scan3A_13, %mul3A_491 : i32
      %add3A_493 = arith.addi %mul3A_2, %mul3A_492 : i32
      %add3A_494 = arith.constant 16 : i32
      %add3A_495 = arith.addi %add3A_493, %add3A_494 : i32
      %add3A_496 = arith.constant 15 : i32
      %add3A_497 = arith.addi %add3A_495, %add3A_496 : i32
      %dma_start3A_498 = arith.constant 0 : i32
      %dma_start3A_499 = tpu.memref_slice %arg4[%add3A_497, %dma_start3A_498] : memref<16384x1024xf32, #tpu.memory_space<hbm>> -> memref<1x1024xf32, #tpu.memory_space<hbm>>
      %dma_start3A_500 = tpu.memref_squeeze %dma_start3A_499 : memref<1x1024xf32, #tpu.memory_space<hbm>> -> memref<1024xf32, #tpu.memory_space<hbm>>
      %dma_start3A_501 = arith.constant 0 : i32
      %dma_start3A_502 = tpu.memref_slice %arg6[%squeeze3A_490, %dma_start3A_501] : memref<8x1024xf32, #tpu.memory_space<vmem_shared>> -> memref<1x1024xf32, #tpu.memory_space<vmem_shared>>
      %dma_start3A_503 = tpu.memref_squeeze %dma_start3A_502 : memref<1x1024xf32, #tpu.memory_space<vmem_shared>> -> memref<1024xf32, #tpu.memory_space<vmem_shared>>
      tpu.enqueue_dma source(%dma_start3A_503 : memref<1024xf32, #tpu.memory_space<vmem_shared>>) target(%dma_start3A_500 : memref<1024xf32, #tpu.memory_space<hbm>>) target_semaphore(%arg7 : memref<!tpu.dma_semaphore, #tpu.memory_space<semaphore_mem>>)
    }
    %scan3A_9 = arith.constant 16 : i32
    %dma_wait3A = arith.constant 0 : i32
    %dma_wait3A_10 = tpu.memref_slice %arg4[%mul3A_2, %dma_wait3A] : memref<16384x1024xf32, #tpu.memory_space<hbm>> -> memref<512x1024xf32, #tpu.memory_space<hbm>>
    %dma_wait3A_11 = arith.constant 0 : i32
    %dma_wait3A_12 = tpu.memref_slice %arg4[%mul3A_2, %dma_wait3A_11] : memref<16384x1024xf32, #tpu.memory_space<hbm>> -> memref<512x1024xf32, #tpu.memory_space<hbm>>
    tpu.wait_dma2 semaphore(%arg7 : memref<!tpu.dma_semaphore, #tpu.memory_space<semaphore_mem>>) src(%dma_wait3A_12 : memref<512x1024xf32, #tpu.memory_space<hbm>>) dst(%dma_wait3A_10 : memref<512x1024xf32, #tpu.memory_space<hbm>>)
    return
  }
}

</mosaic_0001>

<sc_bundles>
// kernel: kernel.3.cloned.1.call-start
scs
__scs_entry_jumppad:
0x0: {  	(pc) =	sbr.rel $0x88, $3  }
0x1: {  	(tag) =	ssettag $0x0;
	lr =	simm.s32 $0x1  }
0x2: {  	[smem:$0x3F9F] =	sst lr;
	_ =	strace $0xD0000000  }
0x3: {  	_ = 	snop  }
0x4: {  	_ = 	snop  }
0x5: {  	_ = 	snop  }
0x6: {  	_ = 	snop  }
0x7: {  	_ = 	snop  }
__scs_overlays_trampoline_lowered:
0x8: {  	[smem:$0x3FAE] =	sst s0  }
0x9: {  	[smem:$0x3FAF] =	sst s1  }
0xa: {  	[smem:$0x3FB0] =	sst s2  }
0xb: {  	[smem:$0x3FB1] =	sst s3  }
0xc: {  	[smem:$0x3FB2] =	sst s4  }
0xd: {  	[smem:$0x3FB3] =	sst s5  }
0xe: {  	[smem:$0x3FB4] =	sst s6  }
0xf: {  	[smem:$0x3FB5] =	sst s7  }
0x10: {  	[smem:$0x3FB6] =	sst s8  }
0x11: {  	[smem:$0x3FB7] =	sst s9;
	s0 =	simm.s32 @!p0 $0x0  }
0x12: {  	s1 =	sld [smem:$0x3F9D];
	s0 =	simm.s32 @p0 $0x1  }
0x13: {  	[smem:$0x3FB8] =	sst s0;
	s0 =	simm.s32 @!p1 $0x0  }
0x14: {  	s2 =	sld [smem:$0x3F9C];
	s0 =	simm.s32 @p1 $0x1  }
0x15: {  	[smem:$0x3FB9] =	sst s0;
	s0 =	simm.s32 @!p2 $0x0  }
0x16: {  	s3 =	sld [smem:$0x3FDB];
	s0 =	simm.s32 @p2 $0x1  }
0x17: {  	s4 =	simm.s32 $0x1BF5;
	[smem:$0x3FBB] =	sst s0  }
0x18: {  	s0 =	sld [smem:$0x3F9E];
	_ =	swait.ge [sflag:s4], $0x0  }
0x19: {  	s7 =	sld [smem:$0x3F9F]  }
0x1a: {  	s8 =	sadd.s32 $0xFFFFE003, lr  }
0x1b: {  	s9 =	sadd.s32 $0xFFFFFEF7, lr;
	s5 =	simm.s32 $0xFFFFFFFF;
	p2 =	slt.u32 s8, $0xFFFFF086  }
0x1c: {  	p1 =	slt.u32 s9, $0xF7A;
	s5 =	simm.s32 @!p2 $0x0  }
0x1d: {  	s5 =	simm.s32 @p1 $0x1;
	p0 =	seq.s32 s7, s2  }
0x1e: {  	s7 =	smul.u32 @!p0 $0xF7A, s2;
	p2 =	seq.s32 @!p0 s5, $0x0  }
0x1f: {  	s9 =	smul.u32 $0xF7A, s1;
	s8 =	simm.s32 @!p0 $0x1BF5;
	p2 =	por !p2, p0  }
0x20: {  	[sflag:s8] =	ssyncset.s32 @!p0 $0xFFFFF086;
	s6 =	sadd.s32 @!p0 s3, s7;
	s7 =	simm.s32 @!p0 $0x108  }
0x21: {  	s3 =	sadd.s32 s3, s9;
	s6 =	sadd.s32 @!p0 $0x88, s6;
	s7 =	simm.s32 @p2 $0x1082  }
0x22: {  	[simem:s7], [sflag:s8] =	dma.local @!p0 [hbm:s6], $0xF7A  }
0x23: {  	s9 =	sor.u32 $0xD0000000, s2;
	s6 =	simm.s32 $0x108;
	_ =	swait.ge @!p0 [sflag:s8], $0x0  }
0x24: {  	s3 =	sadd.s32 $0x88, s3;
	s6 =	simm.s32 @!p1 $0x1082;
	[sflag:s4] =	ssyncset.s32 $0xFFFFF086  }
0x25: {  	[simem:s6], [sflag:s4] =	dma.local [hbm:s3], $0xF7A  }
0x26: {  	[smem:$0x3F9F] =	sst s1;
	(tag) =	ssettag s2;
	_ =	strace s9  }
0x27: {  	s1 =	sld [smem:$0x3FAF]  }
0x28: {  	s2 =	sld [smem:$0x3FB0]  }
0x29: {  	s4 =	sld [smem:$0x3FB2]  }
0x2a: {  	p0 =	seq.s32 s5, $0x0;
	s5 =	sld [smem:$0x3FB3]  }
0x2b: {  	s6 =	sld [smem:$0x3FB4]  }
0x2c: {  	s7 =	sld [smem:$0x3FB5]  }
0x2d: {  	s3 =	simm.s32 $0x108;
	s8 =	sld [smem:$0x3FB6]  }
0x2e: {  	s3 =	simm.s32 @!p0 $0x1082;
	s9 =	sld [smem:$0x3FB7]  }
0x2f: {  	lr =	sadd.s32 s0, s3;
	s0 =	sld [smem:$0x3FAE]  }
0x30: {  	s3 =	sld [smem:$0x3FB1]  }
0x31: {  	[smem:$0x3FBA] =	sst s10  }
0x32: {  	s10 =	sld [smem:$0x3FB8];
	_ =	sdelay $0x3  }
0x33: {  	p0 =	seq.s32 s10, $0x1;
	s10 =	sld [smem:$0x3FBA];
	_ =	sdelay $0x3  }
0x34: {  	[smem:$0x3FBA] =	sst s10  }
0x35: {  	s10 =	sld [smem:$0x3FB9];
	_ =	sdelay $0x3  }
0x36: {  	p1 =	seq.s32 s10, $0x1;
	s10 =	sld [smem:$0x3FBA];
	_ =	sdelay $0x3  }
0x37: {  	[smem:$0x3FBA] =	sst s10  }
0x38: {  	s10 =	sld [smem:$0x3FBB]  }
0x39: {  	_ = 	snop;
	(pc) =	sbr.ind lr, $3  }
0x3a: {  	_ = 	snop  }
0x3b: {  	_ = 	snop  }
0x3c: {  	p2 =	seq.s32 s10, $0x1;
	s10 =	sld [smem:$0x3FBA]  }
0x3d: {  	_ =	shalt  }
0x3e: {  	_ =	shalt  }
0x3f: {  	_ =	shalt  }
0x40: {  	_ =	shalt  }
0x41: {  	_ =	shalt  }
0x42: {  	_ =	shalt  }
0x43: {  	_ =	shalt  }
0x44: {  	_ =	shalt  }
0x45: {  	_ =	shalt  }
0x46: {  	_ =	shalt  }
0x47: {  	_ =	shalt  }
0x48: {  	_ =	shalt  }
0x49: {  	_ =	shalt  }
0x4a: {  	_ =	shalt  }
0x4b: {  	_ =	shalt  }
0x4c: {  	_ =	shalt  }
0x4d: {  	_ =	shalt  }
0x4e: {  	_ =	shalt  }
0x4f: {  	_ =	shalt  }
0x50: {  	_ =	shalt  }
0x51: {  	_ =	shalt  }
0x52: {  	_ =	shalt  }
0x53: {  	_ =	shalt  }
0x54: {  	_ =	shalt  }
0x55: {  	_ =	shalt  }
0x56: {  	_ =	shalt  }
0x57: {  	_ =	shalt  }
0x58: {  	_ =	shalt  }
0x59: {  	_ =	shalt  }
0x5a: {  	_ =	shalt  }
0x5b: {  	_ =	shalt  }
0x5c: {  	_ =	shalt  }
0x5d: {  	_ =	shalt  }
0x5e: {  	_ =	shalt  }
0x5f: {  	_ =	shalt  }
0x60: {  	_ =	shalt  }
0x61: {  	_ =	shalt  }
0x62: {  	_ =	shalt  }
0x63: {  	_ =	shalt  }
0x64: {  	_ =	shalt  }
0x65: {  	_ =	shalt  }
0x66: {  	_ =	shalt  }
0x67: {  	_ =	shalt  }
0x68: {  	_ =	shalt  }
0x69: {  	_ =	shalt  }
0x6a: {  	_ =	shalt  }
0x6b: {  	_ =	shalt  }
0x6c: {  	_ =	shalt  }
0x6d: {  	_ =	shalt  }
0x6e: {  	_ =	shalt  }
0x6f: {  	_ =	shalt  }
0x70: {  	_ =	shalt  }
0x71: {  	_ =	shalt  }
0x72: {  	_ =	shalt  }
0x73: {  	_ =	shalt  }
0x74: {  	_ =	shalt  }
0x75: {  	_ =	shalt  }
0x76: {  	_ =	shalt  }
0x77: {  	_ =	shalt  }
0x78: {  	_ =	shalt  }
0x79: {  	_ =	shalt  }
0x7a: {  	_ =	shalt  }
0x7b: {  	_ =	shalt  }
0x7c: {  	_ =	shalt  }
0x7d: {  	_ =	shalt  }
0x7e: {  	_ =	shalt  }
0x7f: {  	_ =	shalt  }
0x80: {  	_ =	shalt  }
0x81: {  	_ =	shalt  }
0x82: {  	_ =	shalt  }
0x83: {  	_ =	shalt  }
0x84: {  	_ =	shalt  }
0x85: {  	_ =	shalt  }
0x86: {  	_ =	shalt  }
0x87: {  	_ =	shalt  }
.Lfunc_end0:
.L_simem_size_0:
called_computation_lowered:
.L_overlay_start_0:
0x88: {  	s2 =	sld [smem:$0x3FD9]  }
0x89: {  	s3 =	sld [smem:$0x3FFE];
	_ =	sdelay $0x1  }
0x8a: {  	s1 =	srdreg.scid  }
0x8b: {  	s0 =	sand.u32 $0x1, s1  }
0x8c: {  	s17 =	sshll.u32 s0, $0xA;
	s2 =	sadd.s32 s3, s2  }
0x8d: {  	s2 =	sadd.s32 s2, s17  }
0x8e: {  	[smem:$0x3FC6] =	sst s2  }
0x8f: {  	_ = 	snop  }
0x90: {  	s2 =	sld [smem:$0x3FC8]  }
0x91: {  	s18 =	sld [smem:$0x3FD0];
	(tm) =	ssettm $0x1  }
0x92: {  	s4 =	sld [smem:$0x3FFB];
	_ =	sdelay $0x3  }
0x93: {  	_ =	strace s4  }
0x94: {  	s4 =	sld [smem:$0x3FFC];
	_ =	sdelay $0x3  }
0x95: {  	_ =	strace s4  }
0x96: {  	s4 =	sld [smem:$0x3FFD];
	_ =	sdelay $0x3  }
0x97: {  	_ =	strace s4  }
0x98: {  	_ =	strace $0x8FFFFFFF  }
0x99: {  	s19 =	sld [smem:$0x3FDB];
	_ =	sdelay $0x1  }
0x9a: {  	s5 =	simm.s32 $_scs_section_size  }
0x9b: {  	s6 =	simm.s32 $_size__tile_overlayer_lowered;
	s7 =	simm.s32 $_tile_overlayer_lowered  }
0x9c: {  	s22 =	simm.s32 $0x1BFF;
	s21 =	sshll.u32 s7, $0x1;
	s4 =	sadd.s32 s5, s19  }
0x9d: {  	s8 =	simm.s32 $0x0;
	s20 =	sshll.u32 s6, $0x1;
	s6 =	sadd.s32 s21, s4  }
0x9e: {  	[timem:s8], [sflag:s22] =	dma.local [hbm:s6], s20  }
0x9f: {  	_ =	swait.ge [sflag:s22], s20  }
0xa0: {  	s5 =	ssub.s32 $0x0, s20;
	[sflag:s22] =	ssyncset.done $0x0  }
0xa1: {  	[sflag:s22] =	ssyncadd.s32 s5;
	_ =	sdelay $0x1  }
0xa2: {  	s23 =	simm.s32 $0x1B8B  }
0xa3: {  	_ =	swait.ge [sflag:s23], $0x1  }
0xa4: {  	[sflag:s23] =	ssyncset.done $0x0  }
0xa5: {  	s25 =	simm.s32 $0x1B8E;
	s24 =	sld [smem:$0x3FFE];
	[sflag:s23] =	ssyncadd.s32 $0xFFFFFFFF  }
0xa6: {  	s26 =	simm.s32 $execute0_lowered;
	[smem:$0x3FD2] =	sst s25  }
0xa7: {  	s6 =	sshll.u32 s26, $0x1;
	_ =	strace $0x80000046;
	[dreg:$0x1] =	wrdreg $0xFFFFFFFF  }
0xa8: {  	s28 =	simm.s32 $_size_execute0_lowered;
	s4 =	sadd.s32 s4, s6;
	[dreg:$0x0] =	wrdreg $0x0  }
0xa9: {  	s6 =	sshll.u32 s28, $0x1;
	[dreg:$0x2] =	wrdreg s4  }
0xaa: {  	[dreg:$0x3] =	wrdreg s6  }
0xab: {  	[dreg:$0x4] =	wrdreg $0xC0  }
0xac: {  	_ =	task [dreg:s8], $0x5FFFF  }
0xad: {  	[dreg:$0x1] =	wrdreg $0xFFFFFFFF  }
0xae: {  	[dreg:$0x0] =	wrdreg $0x60  }
0xaf: {  	[dreg:$0x2] =	wrdreg s24  }
0xb0: {  	[dreg:$0x3] =	wrdreg s2  }
0xb1: {  	[dreg:$0x4] =	wrdreg s18  }
0xb2: {  	[dreg:$0x5] =	wrdreg $0x2000  }
0xb3: {  	[dreg:$0x6] =	wrdreg $0x9  }
0xb4: {  	_ =	task.clear_ibuf [dreg:s8], $0x7FFFF;
	_ =	strace $0x90000046  }
0xb5: {  	s29 =	simm.s32 $0x9;
	_ =	strace $0x80000048  }
0xb6: {  	_ =	swait.ge [sflag:s29], $0x1  }
0xb7: {  	[sflag:s29] =	ssyncadd.s32 $0xFFFFFFFF  }
0xb8: {  	_ =	strace $0x90000048  }
0xb9: {  	_ =	sfence  }
0xba: {  	s30 =	sld [smem:$0x0];
	_ =	sdelay $0x2  }
0xbb: {  	s31 =	sshll.u32 s1, $0xD;
	s1 =	sshrl.u32 s1, $0x2  }
0xbc: {  	s3 =	sand.u32 $0x4000, s31;
	s1 =	sadd.s32 s1, s30  }
0xbd: {  	s0 =	sor.u32 s3, s0;
	s1 =	sshll.u32 s1, $0x11  }
0xbe: {  	s0 =	sor.u32 s1, s0  }
0xbf: {  	s0 =	sadd.s32 $0x8F2B, s0  }
0xc0: {  	[sflag:s0] =	ssyncadd.remote.s32 $0x1  }
0xc1: {  	_ =	sfence.sel $0xFFFF  }
0xc2: {  	[dreg:$0x0] =	wrdreg $0xFFFFFFFF;
	(pc) =	sbr.abs _section_cstart, $3  }
0xc3: {  	[dreg:$0x1] =	wrdreg $0xFFFFFFFF  }
0xc4: {  	_ =	task.clear_ibuf [dreg:s8], $0x2FFFF;
	_ =	strace $0x9FFFFFFF  }
0xc5: {  	(tm) =	ssettm $0x7FFFFFFF  }
tec
execute0_lowered:
.L_overlay_start_1:
0x0: {  	(tag) =	ssettag $0x1  }
0x1: {  	s4 =	rddreg [dreg:$0x0]  }
0x2: {  	s1 =	rddreg [dreg:$0x1]  }
0x3: {  	s5 =	rddreg [dreg:$0x2]  }
0x4: {  	s2 =	rddreg [dreg:$0x3];
	s3 =	srdreg.scid  }
0x5: {  	s0 =	rddreg [dreg:$0x4];
	s6 =	stileid.u32  }
0x6: {  	s11 =	simm.s32 $0x0;
	s7 =	sand.u32 $0x1, s3;
	s3 =	simm.s32 $0x0  }
0x7: {  	s8 =	sshll.u32 s6, $0xA;
	s10 =	sshll.u32 s6, $0x11;
	p0 =	sne.s32 s6, $0x0  }
0x8: {  	s31 =	sshll.u32 s6, $0x6;
	s9 =	sshll.u32 s7, $0x9;
	[smem:$0x7FF] =	sst s3  }
0x9: {  	s28 =	ssub.s32 $0x2, s7;
	s30 =	sadd.s32 s10, s5;
	s7 =	sshll.u32 s7, $0x10  }
0xa: {  	s6 =	sshrl.u32 @!p0 s2, $0x3;
	s10 =	simm.s32 $0x80;
	s8 =	sor.u32 s9, s8  }
0xb: {  	_ =	strace $0x80000047;
	s29 =	sshrl.u32 s28, $0x1;
	s7 =	sadd.s32 s7, s30  }
0xc: {  	s9 =	simm.s32 $0x1;
	s8 =	sshrl.u32 s8, $0x3;
	[dreg:$0x5] =	wrdreg s7  }
0xd: {  	s7 =	simm.s32 $0x2;
	s4 =	sadd.s32 s8, s4;
	s8 =	ssub.s32 s28, s29  }
0xe: {  	s4 =	sadd.s32 $0x400, s4;
	s5 =	smax.u32 s8, $0x1;
	s8 =	sor.u32 $0x1C01, s31  }
.LBB2_1:
0xf: {  	s12 =	simm.s32 @!p0 $0x1C02  }
0x10: {  	[spmem:s6], [sflag:s12] =	dma.local @!p0 [hbm:s1], $0x400  }
0x11: {  	s12 =	simm.s32 @!p0 $0x2  }
0x12: {  	_ =	swait.ge @!p0 [sflag:s12], $0x400  }
0x13: {  	[sflag:s12] =	ssyncset.done @!p0 $0x0  }
0x14: {  	[sflag:s12] =	ssyncadd.s32 @!p0 $0xFFFFFC00  }
0x15: {  	[tilespmem:s3], [sflag:$0x2] =	stream.linear.gather [hbm4b:s4+s3], $0x200, $0x38;
	[tilespmem:$0x400] =	vst v63  }
0x16: {  	_ =	swait.ge [sflag:s7], $0x200  }
0x17: {  	[sflag:s7] =	ssyncset.done $0x0  }
0x18: {  	[sflag:s7] =	ssyncadd.s32 $0xFFFFFE00  }
0x19: {  	s13 =	simm.s32 $0x0;
	s12 =	simm.s32 $0x10;
	[bflag:$0x0] =	sbarrier.arrive $0xFFFF  }
.LBB2_2:
0x1a: {  	v0 =	vld [tilespmem:s12+$0xFFFFFFF0];
	_ =	sdelay $0x4  }
0x1b: {  	(v2sf) =	vpush v0, $0x0;
	_ =	sdelay $0xe  }
0x1c: {  	s14 =	spop (v2sf)  }
0x1d: {  	s15 =	sshll.u32 s14, $0xA  }
0x1e: {  	s14 =	sshll.u32 s14, $0x7;
	s15 =	sand.u32 $0xFFFFE000, s15  }
0x1f: {  	s14 =	sand.u32 $0x380, s14;
	s15 =	sadd.s32 s15, s2  }
0x20: {  	s16 =	rddreg [dreg:$0x5];
	s15 =	sadd.s32 s14, s15  }
0x21: {  	s14 =	sadd.s32 s13, s16;
	s15 =	sshrl.u32 s15, $0x3  }
0x22: {  	[hbm:s14@s10], [sflag:s8] =	dma.strided [spmem:s15@s10], $0x80, s9, $0x10   }
0x23: {  	(v2sf) =	vpush v0, $0x1;
	_ =	sdelay $0xe  }
0x24: {  	s15 =	spop (v2sf)  }
0x25: {  	s26 =	sshll.u32 s15, $0xA  }
0x26: {  	s15 =	sshll.u32 s15, $0x7;
	s16 =	sand.u32 $0xFFFFE000, s26  }
0x27: {  	s15 =	sand.u32 $0x380, s15;
	s16 =	sadd.s32 s16, s2  }
0x28: {  	s15 =	sadd.s32 s15, s16  }
0x29: {  	s28 =	sadd.s32 $0x10, s14;
	s15 =	sshrl.u32 s15, $0x3  }
0x2a: {  	[hbm:s28@s10], [sflag:s8] =	dma.strided [spmem:s15@s10], $0x80, s9, $0x10   }
0x2b: {  	(v2sf) =	vpush v0, $0x2;
	_ =	sdelay $0xe  }
0x2c: {  	s15 =	spop (v2sf)  }
0x2d: {  	s29 =	sshll.u32 s15, $0xA  }
0x2e: {  	s15 =	sshll.u32 s15, $0x7;
	s16 =	sand.u32 $0xFFFFE000, s29  }
0x2f: {  	s15 =	sand.u32 $0x380, s15;
	s16 =	sadd.s32 s16, s2  }
0x30: {  	s15 =	sadd.s32 s15, s16  }
0x31: {  	s30 =	sadd.s32 $0x20, s14;
	s15 =	sshrl.u32 s15, $0x3  }
0x32: {  	[hbm:s30@s10], [sflag:s8] =	dma.strided [spmem:s15@s10], $0x80, s9, $0x10   }
0x33: {  	(v2sf) =	vpush v0, $0x3;
	_ =	sdelay $0xe  }
0x34: {  	s15 =	spop (v2sf)  }
0x35: {  	s31 =	sshll.u32 s15, $0xA  }
0x36: {  	s15 =	sshll.u32 s15, $0x7;
	s16 =	sand.u32 $0xFFFFE000, s31  }
0x37: {  	s15 =	sand.u32 $0x380, s15;
	s16 =	sadd.s32 s16, s2  }
0x38: {  	s15 =	sadd.s32 s15, s16  }
0x39: {  	s17 =	sadd.s32 $0x30, s14;
	s15 =	sshrl.u32 s15, $0x3  }
0x3a: {  	[hbm:s17@s10], [sflag:s8] =	dma.strided [spmem:s15@s10], $0x80, s9, $0x10   }
0x3b: {  	(v2sf) =	vpush v0, $0x4;
	_ =	sdelay $0xe  }
0x3c: {  	s15 =	spop (v2sf)  }
0x3d: {  	s18 =	sshll.u32 s15, $0xA  }
0x3e: {  	s15 =	sshll.u32 s15, $0x7;
	s16 =	sand.u32 $0xFFFFE000, s18  }
0x3f: {  	s15 =	sand.u32 $0x380, s15;
	s16 =	sadd.s32 s16, s2  }
0x40: {  	s15 =	sadd.s32 s15, s16  }
0x41: {  	s19 =	sadd.s32 $0x40, s14;
	s15 =	sshrl.u32 s15, $0x3  }
0x42: {  	[hbm:s19@s10], [sflag:s8] =	dma.strided [spmem:s15@s10], $0x80, s9, $0x10   }
0x43: {  	(v2sf) =	vpush v0, $0x5;
	_ =	sdelay $0xe  }
0x44: {  	s15 =	spop (v2sf)  }
0x45: {  	s20 =	sshll.u32 s15, $0xA  }
0x46: {  	s15 =	sshll.u32 s15, $0x7;
	s16 =	sand.u32 $0xFFFFE000, s20  }
0x47: {  	s15 =	sand.u32 $0x380, s15;
	s16 =	sadd.s32 s16, s2  }
0x48: {  	s15 =	sadd.s32 s15, s16  }
0x49: {  	s21 =	sadd.s32 $0x50, s14;
	s15 =	sshrl.u32 s15, $0x3  }
0x4a: {  	[hbm:s21@s10], [sflag:s8] =	dma.strided [spmem:s15@s10], $0x80, s9, $0x10   }
0x4b: {  	(v2sf) =	vpush v0, $0x6;
	_ =	sdelay $0xe  }
0x4c: {  	s15 =	spop (v2sf)  }
0x4d: {  	s22 =	sshll.u32 s15, $0xA  }
0x4e: {  	s15 =	sshll.u32 s15, $0x7;
	s16 =	sand.u32 $0xFFFFE000, s22  }
0x4f: {  	s15 =	sand.u32 $0x380, s15;
	s16 =	sadd.s32 s16, s2  }
0x50: {  	s15 =	sadd.s32 s15, s16  }
0x51: {  	s23 =	sadd.s32 $0x60, s14;
	s15 =	sshrl.u32 s15, $0x3  }
0x52: {  	[hbm:s23@s10], [sflag:s8] =	dma.strided [spmem:s15@s10], $0x80, s9, $0x10   }
0x53: {  	(v2sf) =	vpush v0, $0x7;
	_ =	sdelay $0xe  }
0x54: {  	s15 =	spop (v2sf)  }
0x55: {  	s24 =	sshll.u32 s15, $0xA  }
0x56: {  	s15 =	sshll.u32 s15, $0x7;
	s16 =	sand.u32 $0xFFFFE000, s24  }
0x57: {  	s15 =	sand.u32 $0x380, s15;
	s16 =	sadd.s32 s16, s2  }
0x58: {  	s15 =	sadd.s32 s15, s16  }
0x59: {  	s25 =	sadd.s32 $0x70, s14;
	s15 =	sshrl.u32 s15, $0x3  }
0x5a: {  	[hbm:s25@s10], [sflag:s8] =	dma.strided [spmem:s15@s10], $0x80, s9, $0x10   }
0x5b: {  	(v2sf) =	vpush v0, $0x8;
	_ =	sdelay $0xe  }
0x5c: {  	s15 =	spop (v2sf)  }
0x5d: {  	s26 =	sshll.u32 s15, $0xA  }
0x5e: {  	s15 =	sshll.u32 s15, $0x7;
	s16 =	sand.u32 $0xFFFFE000, s26  }
0x5f: {  	s15 =	sand.u32 $0x380, s15;
	s16 =	sadd.s32 s16, s2  }
0x60: {  	s15 =	sadd.s32 s15, s16  }
0x61: {  	s28 =	sadd.s32 $0x400, s14;
	s15 =	sshrl.u32 s15, $0x3  }
0x62: {  	[hbm:s28@s10], [sflag:s8] =	dma.strided [spmem:s15@s10], $0x80, s9, $0x10   }
0x63: {  	(v2sf) =	vpush v0, $0x9;
	_ =	sdelay $0xe  }
0x64: {  	s15 =	spop (v2sf)  }
0x65: {  	s29 =	sshll.u32 s15, $0xA  }
0x66: {  	s15 =	sshll.u32 s15, $0x7;
	s16 =	sand.u32 $0xFFFFE000, s29  }
0x67: {  	s15 =	sand.u32 $0x380, s15;
	s16 =	sadd.s32 s16, s2  }
0x68: {  	s15 =	sadd.s32 s15, s16  }
0x69: {  	s30 =	sadd.s32 $0x410, s14;
	s15 =	sshrl.u32 s15, $0x3  }
0x6a: {  	[hbm:s30@s10], [sflag:s8] =	dma.strided [spmem:s15@s10], $0x80, s9, $0x10   }
0x6b: {  	(v2sf) =	vpush v0, $0xA;
	_ =	sdelay $0xe  }
0x6c: {  	s15 =	spop (v2sf)  }
0x6d: {  	s31 =	sshll.u32 s15, $0xA  }
0x6e: {  	s15 =	sshll.u32 s15, $0x7;
	s16 =	sand.u32 $0xFFFFE000, s31  }
0x6f: {  	s15 =	sand.u32 $0x380, s15;
	s16 =	sadd.s32 s16, s2  }
0x70: {  	s15 =	sadd.s32 s15, s16  }
0x71: {  	s17 =	sadd.s32 $0x420, s14;
	s15 =	sshrl.u32 s15, $0x3  }
0x72: {  	[hbm:s17@s10], [sflag:s8] =	dma.strided [spmem:s15@s10], $0x80, s9, $0x10   }
0x73: {  	(v2sf) =	vpush v0, $0xB;
	_ =	sdelay $0xe  }
0x74: {  	s15 =	spop (v2sf)  }
0x75: {  	s18 =	sshll.u32 s15, $0xA  }
0x76: {  	s15 =	sshll.u32 s15, $0x7;
	s16 =	sand.u32 $0xFFFFE000, s18  }
0x77: {  	s15 =	sand.u32 $0x380, s15;
	s16 =	sadd.s32 s16, s2  }
0x78: {  	s15 =	sadd.s32 s15, s16  }
0x79: {  	s19 =	sadd.s32 $0x430, s14;
	s15 =	sshrl.u32 s15, $0x3  }
0x7a: {  	[hbm:s19@s10], [sflag:s8] =	dma.strided [spmem:s15@s10], $0x80, s9, $0x10   }
0x7b: {  	(v2sf) =	vpush v0, $0xC;
	_ =	sdelay $0xe  }
0x7c: {  	s15 =	spop (v2sf)  }
0x7d: {  	s20 =	sshll.u32 s15, $0xA  }
0x7e: {  	s15 =	sshll.u32 s15, $0x7;
	s16 =	sand.u32 $0xFFFFE000, s20  }
0x7f: {  	s15 =	sand.u32 $0x380, s15;
	s16 =	sadd.s32 s16, s2  }
0x80: {  	s15 =	sadd.s32 s15, s16  }
0x81: {  	s21 =	sadd.s32 $0x440, s14;
	s15 =	sshrl.u32 s15, $0x3  }
0x82: {  	[hbm:s21@s10], [sflag:s8] =	dma.strided [spmem:s15@s10], $0x80, s9, $0x10   }
0x83: {  	(v2sf) =	vpush v0, $0xD;
	_ =	sdelay $0xe  }
0x84: {  	s15 =	spop (v2sf)  }
0x85: {  	s22 =	sshll.u32 s15, $0xA  }
0x86: {  	s15 =	sshll.u32 s15, $0x7;
	s16 =	sand.u32 $0xFFFFE000, s22  }
0x87: {  	s15 =	sand.u32 $0x380, s15;
	s16 =	sadd.s32 s16, s2  }
0x88: {  	s15 =	sadd.s32 s15, s16  }
0x89: {  	s23 =	sadd.s32 $0x450, s14;
	s15 =	sshrl.u32 s15, $0x3  }
0x8a: {  	[hbm:s23@s10], [sflag:s8] =	dma.strided [spmem:s15@s10], $0x80, s9, $0x10   }
0x8b: {  	(v2sf) =	vpush v0, $0xE;
	_ =	sdelay $0xe  }
0x8c: {  	s15 =	spop (v2sf)  }
0x8d: {  	s24 =	sshll.u32 s15, $0xA  }
0x8e: {  	s15 =	sshll.u32 s15, $0x7;
	s16 =	sand.u32 $0xFFFFE000, s24  }
0x8f: {  	s15 =	sand.u32 $0x380, s15;
	s16 =	sadd.s32 s16, s2  }
0x90: {  	s15 =	sadd.s32 s15, s16  }
0x91: {  	s25 =	sadd.s32 $0x460, s14;
	s15 =	sshrl.u32 s15, $0x3  }
0x92: {  	[hbm:s25@s10], [sflag:s8] =	dma.strided [spmem:s15@s10], $0x80, s9, $0x10   }
0x93: {  	(v2sf) =	vpush v0, $0xF;
	_ =	sdelay $0xe  }
0x94: {  	s15 =	spop (v2sf)  }
0x95: {  	s26 =	sshll.u32 s15, $0xA  }
0x96: {  	s15 =	sshll.u32 s15, $0x7;
	s16 =	sand.u32 $0xFFFFE000, s26  }
0x97: {  	s15 =	sand.u32 $0x380, s15;
	s16 =	sadd.s32 s16, s2  }
0x98: {  	s15 =	sadd.s32 s15, s16  }
0x99: {  	s28 =	sadd.s32 $0x470, s14;
	s15 =	sshrl.u32 s15, $0x3  }
0x9a: {  	[hbm:s28@s10], [sflag:s8] =	dma.strided [spmem:s15@s10], $0x80, s9, $0x10   }
0x9b: {  	v63 =	vld [tilespmem:s12+$0x0];
	_ =	sdelay $0x4  }
0x9c: {  	(v2sf) =	vpush v63, $0x0;
	_ =	sdelay $0xe  }
0x9d: {  	s15 =	spop (v2sf)  }
0x9e: {  	s29 =	sshll.u32 s15, $0xA  }
0x9f: {  	s15 =	sshll.u32 s15, $0x7;
	s16 =	sand.u32 $0xFFFFE000, s29  }
0xa0: {  	s15 =	sand.u32 $0x380, s15;
	s16 =	sadd.s32 s16, s2  }
0xa1: {  	s15 =	sadd.s32 s15, s16  }
0xa2: {  	s30 =	sadd.s32 $0x800, s14;
	s15 =	sshrl.u32 s15, $0x3  }
0xa3: {  	[hbm:s30@s10], [sflag:s8] =	dma.strided [spmem:s15@s10], $0x80, s9, $0x10   }
0xa4: {  	(v2sf) =	vpush v63, $0x1;
	_ =	sdelay $0xe  }
0xa5: {  	s15 =	spop (v2sf)  }
0xa6: {  	s31 =	sshll.u32 s15, $0xA  }
0xa7: {  	s15 =	sshll.u32 s15, $0x7;
	s16 =	sand.u32 $0xFFFFE000, s31  }
0xa8: {  	s15 =	sand.u32 $0x380, s15;
	s16 =	sadd.s32 s16, s2  }
0xa9: {  	s15 =	sadd.s32 s15, s16  }
0xaa: {  	s17 =	sadd.s32 $0x810, s14;
	s15 =	sshrl.u32 s15, $0x3  }
0xab: {  	[hbm:s17@s10], [sflag:s8] =	dma.strided [spmem:s15@s10], $0x80, s9, $0x10   }
0xac: {  	(v2sf) =	vpush v63, $0x2;
	_ =	sdelay $0xe  }
0xad: {  	s15 =	spop (v2sf)  }
0xae: {  	s18 =	sshll.u32 s15, $0xA  }
0xaf: {  	s15 =	sshll.u32 s15, $0x7;
	s16 =	sand.u32 $0xFFFFE000, s18  }
0xb0: {  	s15 =	sand.u32 $0x380, s15;
	s16 =	sadd.s32 s16, s2  }
0xb1: {  	s15 =	sadd.s32 s15, s16  }
0xb2: {  	s19 =	sadd.s32 $0x820, s14;
	s15 =	sshrl.u32 s15, $0x3  }
0xb3: {  	[hbm:s19@s10], [sflag:s8] =	dma.strided [spmem:s15@s10], $0x80, s9, $0x10   }
0xb4: {  	(v2sf) =	vpush v63, $0x3;
	_ =	sdelay $0xe  }
0xb5: {  	s15 =	spop (v2sf)  }
0xb6: {  	s20 =	sshll.u32 s15, $0xA  }
0xb7: {  	s15 =	sshll.u32 s15, $0x7;
	s16 =	sand.u32 $0xFFFFE000, s20  }
0xb8: {  	s15 =	sand.u32 $0x380, s15;
	s16 =	sadd.s32 s16, s2  }
0xb9: {  	s15 =	sadd.s32 s15, s16  }
0xba: {  	s21 =	sadd.s32 $0x830, s14;
	s15 =	sshrl.u32 s15, $0x3  }
0xbb: {  	[hbm:s21@s10], [sflag:s8] =	dma.strided [spmem:s15@s10], $0x80, s9, $0x10   }
0xbc: {  	(v2sf) =	vpush v63, $0x4;
	_ =	sdelay $0xe  }
0xbd: {  	s15 =	spop (v2sf)  }
0xbe: {  	s22 =	sshll.u32 s15, $0xA  }
0xbf: {  	s15 =	sshll.u32 s15, $0x7;
	s16 =	sand.u32 $0xFFFFE000, s22  }
0xc0: {  	s15 =	sand.u32 $0x380, s15;
	s16 =	sadd.s32 s16, s2  }
0xc1: {  	s15 =	sadd.s32 s15, s16  }
0xc2: {  	s23 =	sadd.s32 $0x840, s14;
	s15 =	sshrl.u32 s15, $0x3  }
0xc3: {  	[hbm:s23@s10], [sflag:s8] =	dma.strided [spmem:s15@s10], $0x80, s9, $0x10   }
0xc4: {  	(v2sf) =	vpush v63, $0x5;
	_ =	sdelay $0xe  }
0xc5: {  	s15 =	spop (v2sf)  }
0xc6: {  	s24 =	sshll.u32 s15, $0xA  }
0xc7: {  	s15 =	sshll.u32 s15, $0x7;
	s16 =	sand.u32 $0xFFFFE000, s24  }
0xc8: {  	s15 =	sand.u32 $0x380, s15;
	s16 =	sadd.s32 s16, s2  }
0xc9: {  	s15 =	sadd.s32 s15, s16  }
0xca: {  	s25 =	sadd.s32 $0x850, s14;
	s15 =	sshrl.u32 s15, $0x3  }
0xcb: {  	[hbm:s25@s10], [sflag:s8] =	dma.strided [spmem:s15@s10], $0x80, s9, $0x10   }
0xcc: {  	(v2sf) =	vpush v63, $0x6;
	_ =	sdelay $0xe  }
0xcd: {  	s15 =	spop (v2sf)  }
0xce: {  	s26 =	sshll.u32 s15, $0xA  }
0xcf: {  	s15 =	sshll.u32 s15, $0x7;
	s16 =	sand.u32 $0xFFFFE000, s26  }
0xd0: {  	s15 =	sand.u32 $0x380, s15;
	s16 =	sadd.s32 s16, s2  }
0xd1: {  	s15 =	sadd.s32 s15, s16  }
0xd2: {  	s28 =	sadd.s32 $0x860, s14;
	s15 =	sshrl.u32 s15, $0x3  }
0xd3: {  	[hbm:s28@s10], [sflag:s8] =	dma.strided [spmem:s15@s10], $0x80, s9, $0x10   }
0xd4: {  	(v2sf) =	vpush v63, $0x7;
	_ =	sdelay $0xe  }
0xd5: {  	s15 =	spop (v2sf)  }
0xd6: {  	s29 =	sshll.u32 s15, $0xA  }
0xd7: {  	s15 =	sshll.u32 s15, $0x7;
	s16 =	sand.u32 $0xFFFFE000, s29  }
0xd8: {  	s15 =	sand.u32 $0x380, s15;
	s16 =	sadd.s32 s16, s2  }
0xd9: {  	s15 =	sadd.s32 s15, s16  }
0xda: {  	s30 =	sadd.s32 $0x870, s14;
	s15 =	sshrl.u32 s15, $0x3  }
0xdb: {  	[hbm:s30@s10], [sflag:s8] =	dma.strided [spmem:s15@s10], $0x80, s9, $0x10   }
0xdc: {  	(v2sf) =	vpush v63, $0x8;
	_ =	sdelay $0xe  }
0xdd: {  	s15 =	spop (v2sf)  }
0xde: {  	s31 =	sshll.u32 s15, $0xA  }
0xdf: {  	s15 =	sshll.u32 s15, $0x7;
	s16 =	sand.u32 $0xFFFFE000, s31  }
0xe0: {  	s15 =	sand.u32 $0x380, s15;
	s16 =	sadd.s32 s16, s2  }
0xe1: {  	s15 =	sadd.s32 s15, s16  }
0xe2: {  	s17 =	sadd.s32 $0xC00, s14;
	s15 =	sshrl.u32 s15, $0x3  }
0xe3: {  	[hbm:s17@s10], [sflag:s8] =	dma.strided [spmem:s15@s10], $0x80, s9, $0x10   }
0xe4: {  	(v2sf) =	vpush v63, $0x9;
	_ =	sdelay $0xe  }
0xe5: {  	s15 =	spop (v2sf)  }
0xe6: {  	s18 =	sshll.u32 s15, $0xA  }
0xe7: {  	s15 =	sshll.u32 s15, $0x7;
	s16 =	sand.u32 $0xFFFFE000, s18  }
0xe8: {  	s15 =	sand.u32 $0x380, s15;
	s16 =	sadd.s32 s16, s2  }
0xe9: {  	s15 =	sadd.s32 s15, s16  }
0xea: {  	s19 =	sadd.s32 $0xC10, s14;
	s15 =	sshrl.u32 s15, $0x3  }
0xeb: {  	[hbm:s19@s10], [sflag:s8] =	dma.strided [spmem:s15@s10], $0x80, s9, $0x10   }
0xec: {  	(v2sf) =	vpush v63, $0xA;
	_ =	sdelay $0xe  }
0xed: {  	s15 =	spop (v2sf)  }
0xee: {  	s20 =	sshll.u32 s15, $0xA  }
0xef: {  	s15 =	sshll.u32 s15, $0x7;
	s16 =	sand.u32 $0xFFFFE000, s20  }
0xf0: {  	s15 =	sand.u32 $0x380, s15;
	s16 =	sadd.s32 s16, s2  }
0xf1: {  	s15 =	sadd.s32 s15, s16  }
0xf2: {  	s21 =	sadd.s32 $0xC20, s14;
	s15 =	sshrl.u32 s15, $0x3  }
0xf3: {  	[hbm:s21@s10], [sflag:s8] =	dma.strided [spmem:s15@s10], $0x80, s9, $0x10   }
0xf4: {  	(v2sf) =	vpush v63, $0xB;
	_ =	sdelay $0xe  }
0xf5: {  	s15 =	spop (v2sf)  }
0xf6: {  	s22 =	sshll.u32 s15, $0xA  }
0xf7: {  	s15 =	sshll.u32 s15, $0x7;
	s16 =	sand.u32 $0xFFFFE000, s22  }
0xf8: {  	s15 =	sand.u32 $0x380, s15;
	s16 =	sadd.s32 s16, s2  }
0xf9: {  	s15 =	sadd.s32 s15, s16  }
0xfa: {  	s23 =	sadd.s32 $0xC30, s14;
	s15 =	sshrl.u32 s15, $0x3  }
0xfb: {  	[hbm:s23@s10], [sflag:s8] =	dma.strided [spmem:s15@s10], $0x80, s9, $0x10   }
0xfc: {  	(v2sf) =	vpush v63, $0xC;
	_ =	sdelay $0xe  }
0xfd: {  	s15 =	spop (v2sf)  }
0xfe: {  	s24 =	sshll.u32 s15, $0xA  }
0xff: {  	s15 =	sshll.u32 s15, $0x7;
	s16 =	sand.u32 $0xFFFFE000, s24  }
0x100: {  	s15 =	sand.u32 $0x380, s15;
	s16 =	sadd.s32 s16, s2  }
0x101: {  	s15 =	sadd.s32 s15, s16  }
0x102: {  	s25 =	sadd.s32 $0xC40, s14;
	s15 =	sshrl.u32 s15, $0x3  }
0x103: {  	[hbm:s25@s10], [sflag:s8] =	dma.strided [spmem:s15@s10], $0x80, s9, $0x10   }
0x104: {  	(v2sf) =	vpush v63, $0xD;
	_ =	sdelay $0xe  }
0x105: {  	s15 =	spop (v2sf)  }
0x106: {  	s26 =	sshll.u32 s15, $0xA  }
0x107: {  	s15 =	sshll.u32 s15, $0x7;
	s16 =	sand.u32 $0xFFFFE000, s26  }
0x108: {  	s15 =	sand.u32 $0x380, s15;
	s16 =	sadd.s32 s16, s2  }
0x109: {  	s15 =	sadd.s32 s15, s16  }
0x10a: {  	s28 =	sadd.s32 $0xC50, s14;
	s15 =	sshrl.u32 s15, $0x3  }
0x10b: {  	[hbm:s28@s10], [sflag:s8] =	dma.strided [spmem:s15@s10], $0x80, s9, $0x10   }
0x10c: {  	(v2sf) =	vpush v63, $0xE;
	_ =	sdelay $0xe  }
0x10d: {  	s15 =	spop (v2sf)  }
0x10e: {  	s29 =	sshll.u32 s15, $0xA  }
0x10f: {  	s15 =	sshll.u32 s15, $0x7;
	s16 =	sand.u32 $0xFFFFE000, s29  }
0x110: {  	s15 =	sand.u32 $0x380, s15;
	s16 =	sadd.s32 s16, s2  }
0x111: {  	s15 =	sadd.s32 s15, s16  }
0x112: {  	s30 =	sadd.s32 $0xC60, s14;
	s15 =	sshrl.u32 s15, $0x3  }
0x113: {  	[hbm:s30@s10], [sflag:s8] =	dma.strided [spmem:s15@s10], $0x80, s9, $0x10   }
0x114: {  	(v2sf) =	vpush v63, $0xF;
	_ =	sdelay $0xe  }
0x115: {  	s15 =	spop (v2sf)  }
0x116: {  	p1 =	sne.s32 s13, $0xF000;
	s31 =	sshll.u32 s15, $0xA  }
.Ltmp0:
0x117: {  	s15 =	sshll.u32 s15, $0x7;
	s16 =	sand.u32 $0xFFFFE000, s31;
	(pc) =	sbr.rel @p1 .LBB2_2-.Ltmp0, $4  }
0x118: {  	s15 =	sand.u32 $0x380, s15;
	s16 =	sadd.s32 s16, s2  }
0x119: {  	s13 =	sadd.s32 $0x1000, s13;
	s15 =	sadd.s32 s15, s16  }
0x11a: {  	s12 =	sadd.s32 $0x20, s12;
	s14 =	sadd.s32 $0xC70, s14;
	s15 =	sshrl.u32 s15, $0x3  }
0x11b: {  	[hbm:s14@s10], [sflag:s8] =	dma.strided [spmem:s15@s10], $0x80, s9, $0x10   }
0x11c: {  	s11 =	sadd.s32 $0x1, s11  }
0x11d: {  	p1 =	sne.s32 s11, s5  }
.Ltmp1:
0x11e: {  	_ = 	snop;
	(pc) =	sbr.rel @p1 .LBB2_1-.Ltmp1, $4  }
0x11f: {  	_ = 	snop  }
0x120: {  	_ =	swait.ge [sflag:s9], $0x10000  }
0x121: {  	[sflag:s9] =	ssyncset.done $0x0  }
0x122: {  	[sflag:s9] =	ssyncadd.s32 $0xFFFF0000  }
0x123: {  	_ =	sfence.sel $0x180000  }
0x124: {  	[bflag:$0x0] =	sbarrier.arrive $0xFFFF  }
0x125: {  	_ =	strace $0x90000047  }
0x126: {  	s0 =	sadd.s32 @!p0 $0x100000, s0;
	[bflag:$0x2] =	sbarrier.arrive $0xFFFF  }
0x127: {  	[sflag:s0] =	ssyncadd.tile.s32 @!p0 $0x1;
	_ =	shalt  }
.Lfunc_end2:
_tile_overlayer_lowered:
.L_overlay_start_2:
0x128: {  	(tag) =	ssettag $0x2  }
0x129: {  	s0 =	rddreg [dreg:$0x0];
	s2 =	stileid.u32  }
0x12a: {  	s1 =	rddreg [dreg:$0x1];
	p0 =	sne.s32 s2, $0x0  }
0x12b: {  	s3 =	rddreg [dreg:$0x2];
	[bflag:$0x3] =	sbarrier.arrive $0xFFFF;
	s2 =	simm.s32 @!p0 $0x1C02  }
0x12c: {  	[timem:s3], [sflag:s2] =	dma.local @!p0 [hbm:s0], s1  }
0x12d: {  	s0 =	simm.s32 @!p0 $0x2  }
0x12e: {  	_ =	swait.ge @!p0 [sflag:s0], s1  }
0x12f: {  	s1 =	ssub.s32 @!p0 $0x0, s1;
	[sflag:s0] =	ssyncset.done @!p0 $0x0  }
0x130: {  	[sflag:s0] =	ssyncadd.s32 @!p0 s1  }
0x131: {  	[bflag:$0x3] =	sbarrier.arrive $0xFFFF  }
0x132: {  	_ =	shalt  }

</sc_bundles>
